<compile_context>
chip_gen: v7x
topology: tpu7x:2x2x1
jax: 0.10.2.dev20260603
libtpu: 0.0.44.dev20260713+nightly
codegen_flags: <defaults>
</compile_context>

<pallas_src>
import functools

import jax
import jax.numpy as jnp
import numpy as np
from jax import lax
from jax.experimental import pallas as pl
from jax.experimental.pallas import tpu as pltpu
from jax.experimental.pallas import tpu_sc as plsc

BATCH = 16384
NUM_INPUTS = 2048
TUPLE_SIZE = 8
NUM_LUTS = NUM_INPUTS // TUPLE_SIZE
LUT_ENTRIES = 1 << TUPLE_SIZE
PAIRS = NUM_LUTS // 2


NCHUNK = 1
BCHUNK = BATCH // NCHUNK
TC_ROWS = 1024


def _pack_body(x_ref, pt_ref, out_ref):
    xb = x_ref[...].astype(jnp.bfloat16)
    a = lax.dot_general(pt_ref[...], xb, (((1,), (1,)), ((), ())),
                        preferred_element_type=jnp.float32)
    ai = a.astype(jnp.int32)
    roff = lax.broadcasted_iota(jnp.int32, (PAIRS, TC_ROWS), 0) * (2 * LUT_ENTRIES)
    f_e = ai[:PAIRS] + roff
    f_o = ai[PAIRS:] + (roff + LUT_ENTRIES)
    out_ref[...] = f_e | (f_o << 16)


def _pack_addresses(x, pt, c):
    blk0 = c * (BCHUNK // TC_ROWS)
    return pl.pallas_call(
        _pack_body,
        grid=(BCHUNK // TC_ROWS,),
        in_specs=[
            pl.BlockSpec((TC_ROWS, NUM_INPUTS), lambda i: (blk0 + i, 0)),
            pl.BlockSpec((NUM_LUTS, NUM_INPUTS), lambda i: (0, 0)),
        ],
        out_specs=pl.BlockSpec((PAIRS, TC_ROWS), lambda i: (0, i)),
        out_shape=jax.ShapeDtypeStruct((PAIRS, BCHUNK), jnp.int32),
    )(x, pt)



NW = 32
COLS_PER_TILE = BCHUNK // NW
CHUNK = 128
LANES = 16
GROUPS = CHUNK // LANES
TABLE = NUM_LUTS * LUT_ENTRIES
MASK16 = (1 << 16) - 1


NCHUNKS_SC = COLS_PER_TILE // CHUNK


def _sc_body(fidx_hbm, lut_hbm, out_hbm, lut_v, idx_v0, idx_v1, out_v,
             sem0, sem1):
    wid = lax.axis_index("s") * 2 + lax.axis_index("c")
    base_col = wid * COLS_PER_TILE
    bufs = (idx_v0, idx_v1)
    sems = (sem0, sem1)

    handles = {}
    for ci in range(min(2, NCHUNKS_SC)):
        col0 = base_col + ci * CHUNK
        handles[ci] = pltpu.async_copy(
            fidx_hbm.at[:, pl.ds(col0, CHUNK)], bufs[ci % 2], sems[ci % 2]
        )
    pltpu.sync_copy(lut_hbm, lut_v)

    for ci in range(NCHUNKS_SC):
        handles[ci].wait()
        buf = bufs[ci % 2]

        def t_body(t, accs, buf=buf):
            new = []
            for g in range(GROUPS):
                v = buf[t, pl.ds(g * LANES, LANES)]
                lo = v & MASK16
                hi = lax.shift_right_logical(v, 16)
                acc = accs[g] + plsc.load_gather(lut_v, [lo])
                new.append(acc + plsc.load_gather(lut_v, [hi]))
            return tuple(new)

        zeros = jnp.zeros((LANES,), jnp.float32)
        accs = lax.fori_loop(0, PAIRS, t_body, (zeros,) * GROUPS)
        for g in range(GROUPS):
            out_v[pl.ds(ci * CHUNK + g * LANES, LANES)] = accs[g]
        if ci + 2 < NCHUNKS_SC:
            col0 = base_col + (ci + 2) * CHUNK
            handles[ci + 2] = pltpu.async_copy(
                fidx_hbm.at[:, pl.ds(col0, CHUNK)], bufs[ci % 2], sems[ci % 2]
            )

    pltpu.sync_copy(out_v, out_hbm.at[pl.ds(base_col, COLS_PER_TILE)])


_sc_gather = functools.partial(
    pl.kernel,
    out_type=jax.ShapeDtypeStruct((BCHUNK,), jnp.float32),
    mesh=plsc.VectorSubcoreMesh(core_axis_name="c", subcore_axis_name="s"),
    compiler_params=pltpu.CompilerParams(needs_layout_passes=False),
    scratch_types=[
        pltpu.VMEM((TABLE,), jnp.float32),
        pltpu.VMEM((PAIRS, CHUNK), jnp.int32),
        pltpu.VMEM((PAIRS, CHUNK), jnp.int32),
        pltpu.VMEM((COLS_PER_TILE,), jnp.float32),
        pltpu.SemaphoreType.DMA,
        pltpu.SemaphoreType.DMA,
    ],
)(_sc_body)


def _build_pt():
    k = np.arange(NUM_INPUTS)
    grp = k[None, :] // TUPLE_SIZE
    pw = (1 << (k % TUPLE_SIZE))[None, :]
    rows = np.concatenate([2 * np.arange(PAIRS), 2 * np.arange(PAIRS) + 1])
    return np.asarray((grp == rows[:, None]) * pw).astype(jnp.bfloat16)


_PT = _build_pt()


def kernel(x, lut_weights):
    lut_flat = lut_weights.reshape(-1)
    outs = []
    for c in range(NCHUNK):
        fidx = _pack_addresses(x, _PT, c)
        outs.append(_sc_gather(fidx, lut_flat))
    out = outs[0] if NCHUNK == 1 else jnp.concatenate(outs)
    return out

# --- scband reference (transcript-rebuilt; emitter-appended) ---
"""Pipeline reference for scband-efdlut-58007828299924 (READ-ONLY COPY).

The authoritative reference and input builder live on the scoring server;
editing this copy changes nothing except your own understanding.
"""

import jax, jax.numpy as jnp
import numpy as np

BATCH = 16384
NUM_INPUTS = 2048
TUPLE_SIZE = 8
NUM_LUTS = NUM_INPUTS // TUPLE_SIZE  # 256
LUT_ENTRIES = 1 << TUPLE_SIZE        # 256


def setup_inputs(seed: int = 0) -> dict:
    key = jax.random.key(seed)
    k1, k2 = jax.random.split(key)
    x = jax.random.randint(k1, (BATCH, NUM_INPUTS), 0, 2, dtype=jnp.int32)
    lut_weights = jax.random.uniform(
        k2, (NUM_LUTS, LUT_ENTRIES), minval=-0.1, maxval=0.1, dtype=jnp.float32
    )
    return {"x": x, "lut_weights": lut_weights}


def reference(x, lut_weights):
    batch_size = x.shape[0]
    limit = NUM_LUTS * TUPLE_SIZE
    xv = x[:, :limit].reshape(batch_size, NUM_LUTS, TUPLE_SIZE)
    powers_of_two = (2 ** jnp.arange(TUPLE_SIZE)).astype(xv.dtype)
    addresses = jnp.sum(xv * powers_of_two, axis=-1).astype(jnp.int32)  # [B, NUM_LUTS]
    # values[b, l] = lut_weights[l, addresses[b, l]]  (gather)
    values = lut_weights[jnp.arange(NUM_LUTS)[None, :], addresses]
    return values.sum(axis=1)

if __name__ == "__main__":
    import jax
    _d = setup_inputs()
    print(jax.jit(kernel)(*tuple(_d.values())))

</pallas_src>

<mosaic_0001>
#map = affine_map<(d0, d1) -> (0, 0)>
#map1 = affine_map<(d0, d1) -> (0)>
module attributes {stable_mosaic.version = 14 : i64} {
  func.func @_sc_body(%arg0: i32, %arg1: i32, %arg2: memref<128x16384xi32, #tpu.memory_space<hbm>>, %arg3: memref<65536xf32, #tpu.memory_space<hbm>>, %arg4: memref<16384xf32, #tpu.memory_space<hbm>>, %arg5: memref<65536xf32, #tpu.memory_space<vmem>>, %arg6: memref<128x128xi32, #tpu.memory_space<vmem>>, %arg7: memref<128x128xi32, #tpu.memory_space<vmem>>, %arg8: memref<512xf32, #tpu.memory_space<vmem>>, %arg9: memref<!tpu.dma_semaphore, #tpu.memory_space<semaphore_mem>>, %arg10: memref<!tpu.dma_semaphore, #tpu.memory_space<semaphore_mem>>) attributes {dimension_semantics = [#tpu.dimension_semantics<core_parallel>, #tpu.dimension_semantics<subcore_parallel>], iteration_bounds = array<i64: 2, 16>, scalar_prefetch = 0 : i64, scratch_operands = 6 : i64, tpu.core_type = #tpu.core_type<sc_vector_subcore>, window_params = [{transform_indices = #map}, {transform_indices = #map1}, {transform_indices = #map1}]} {
    %mul3A = arith.constant 2 : i32
    %mul3A_0 = arith.muli %arg1, %mul3A : i32
    %add3A = arith.addi %mul3A_0, %arg0 : i32
    %mul3A_1 = arith.constant 512 : i32
    %mul3A_2 = arith.muli %add3A, %mul3A_1 : i32
    %add3A_3 = arith.constant 0 : i32
    %add3A_4 = arith.addi %mul3A_2, %add3A_3 : i32
    %dma_start3A = arith.constant 0 : i32
    %dma_start3A_5 = tpu.memref_slice %arg2[%dma_start3A, %add3A_4] : memref<128x16384xi32, #tpu.memory_space<hbm>> -> memref<128x128xi32, #tpu.memory_space<hbm>>
    %dma_start3A_6 = arith.constant 0 : i32
    %dma_start3A_7 = tpu.memref_slice %arg2[%dma_start3A_6, %add3A_4] : memref<128x16384xi32, #tpu.memory_space<hbm>> -> memref<128x128xi32, #tpu.memory_space<hbm>>
    tpu.enqueue_dma source(%dma_start3A_7 : memref<128x128xi32, #tpu.memory_space<hbm>>) target(%arg6 : memref<128x128xi32, #tpu.memory_space<vmem>>) target_semaphore(%arg9 : memref<!tpu.dma_semaphore, #tpu.memory_space<semaphore_mem>>)
    %add3A_8 = arith.constant 128 : i32
    %add3A_9 = arith.addi %mul3A_2, %add3A_8 : i32
    %dma_start3A_10 = arith.constant 0 : i32
    %dma_start3A_11 = tpu.memref_slice %arg2[%dma_start3A_10, %add3A_9] : memref<128x16384xi32, #tpu.memory_space<hbm>> -> memref<128x128xi32, #tpu.memory_space<hbm>>
    %dma_start3A_12 = arith.constant 0 : i32
    %dma_start3A_13 = tpu.memref_slice %arg2[%dma_start3A_12, %add3A_9] : memref<128x16384xi32, #tpu.memory_space<hbm>> -> memref<128x128xi32, #tpu.memory_space<hbm>>
    tpu.enqueue_dma source(%dma_start3A_13 : memref<128x128xi32, #tpu.memory_space<hbm>>) target(%arg7 : memref<128x128xi32, #tpu.memory_space<vmem>>) target_semaphore(%arg10 : memref<!tpu.dma_semaphore, #tpu.memory_space<semaphore_mem>>)
    "tpu.region"() ({
      %run_scoped3A = tpu.sem_alloc : memref<!tpu.dma_semaphore, #tpu.memory_space<semaphore_mem>>
      tpu.enqueue_dma source(%arg3 : memref<65536xf32, #tpu.memory_space<hbm>>) target(%arg5 : memref<65536xf32, #tpu.memory_space<vmem>>) target_semaphore(%run_scoped3A : memref<!tpu.dma_semaphore, #tpu.memory_space<semaphore_mem>>)
      tpu.wait_dma2 semaphore(%run_scoped3A : memref<!tpu.dma_semaphore, #tpu.memory_space<semaphore_mem>>) src(%arg3 : memref<65536xf32, #tpu.memory_space<hbm>>) dst(%arg5 : memref<65536xf32, #tpu.memory_space<vmem>>)
      tpu.yield
    }) : () -> ()
    %dma_wait3A = arith.constant 0 : i32
    %dma_wait3A_14 = tpu.memref_slice %arg2[%dma_wait3A, %add3A_4] : memref<128x16384xi32, #tpu.memory_space<hbm>> -> memref<128x128xi32, #tpu.memory_space<hbm>>
    %dma_wait3A_15 = arith.constant 0 : i32
    %dma_wait3A_16 = tpu.memref_slice %arg2[%dma_wait3A_15, %add3A_4] : memref<128x16384xi32, #tpu.memory_space<hbm>> -> memref<128x128xi32, #tpu.memory_space<hbm>>
    tpu.wait_dma2 semaphore(%arg9 : memref<!tpu.dma_semaphore, #tpu.memory_space<semaphore_mem>>) src(%dma_wait3A_16 : memref<128x128xi32, #tpu.memory_space<hbm>>) dst(%arg6 : memref<128x128xi32, #tpu.memory_space<vmem>>)
    %broadcast_in_dim3A = arith.constant 0.000000e+00 : f32
    %broadcast_in_dim3A_17 = vector.broadcast %broadcast_in_dim3A : f32 to vector<16xf32>
    %scan3A = arith.constant 0 : i32
    %scan3A_18 = arith.constant 128 : i32
    %scan3A_19 = arith.addi %scan3A, %scan3A_18 : i32
    %scan3A_20 = arith.constant 1 : i32
    %scan3A_21:8 = scf.for %scan3A_134 = %scan3A to %scan3A_19 step %scan3A_20 iter_args(%scan3A_135 = %broadcast_in_dim3A_17, %scan3A_136 = %broadcast_in_dim3A_17, %scan3A_137 = %broadcast_in_dim3A_17, %scan3A_138 = %broadcast_in_dim3A_17, %scan3A_139 = %broadcast_in_dim3A_17, %scan3A_140 = %broadcast_in_dim3A_17, %scan3A_141 = %broadcast_in_dim3A_17, %scan3A_142 = %broadcast_in_dim3A_17) -> (vector<16xf32>, vector<16xf32>, vector<16xf32>, vector<16xf32>, vector<16xf32>, vector<16xf32>, vector<16xf32>, vector<16xf32>)  : i32 {
      %get3A = arith.index_cast %scan3A_134 : i32 to index
      %get3A_143 = arith.constant 0 : index
      %get3A_144 = tpu.vector_load %arg6[%get3A, %get3A_143] {strides = array<i32>} : memref<128x128xi32, #tpu.memory_space<vmem>>, vector<16xi32>,
      %and3A = arith.constant 65535 : i32
      %and3A_145 = vector.broadcast %and3A : i32 to vector<16xi32>
      %and3A_146 = arith.andi %get3A_144, %and3A_145 : vector<16xi32>
      %shift_right_logical3A = arith.constant 16 : i32
      %shift_right_logical3A_147 = vector.broadcast %shift_right_logical3A : i32 to vector<16xi32>
      %shift_right_logical3A_148 = arith.shrui %get3A_144, %shift_right_logical3A_147 : vector<16xi32>
      %gather3A = tpu.vector_load_idx %arg5[%and3A_146] : memref<65536xf32, #tpu.memory_space<vmem>>[vector<16xi32>], vector<16xf32>,
      %add3A_149 = arith.addf %scan3A_135, %gather3A : vector<16xf32>
      %gather3A_150 = tpu.vector_load_idx %arg5[%shift_right_logical3A_148] : memref<65536xf32, #tpu.memory_space<vmem>>[vector<16xi32>], vector<16xf32>,
      %add3A_151 = arith.addf %add3A_149, %gather3A_150 : vector<16xf32>
      %get3A_152 = arith.index_cast %scan3A_134 : i32 to index
      %get3A_153 = arith.constant 16 : index
      %get3A_154 = tpu.vector_load %arg6[%get3A_152, %get3A_153] {strides = array<i32>} : memref<128x128xi32, #tpu.memory_space<vmem>>, vector<16xi32>,
      %and3A_155 = arith.constant 65535 : i32
      %and3A_156 = vector.broadcast %and3A_155 : i32 to vector<16xi32>
      %and3A_157 = arith.andi %get3A_154, %and3A_156 : vector<16xi32>
      %shift_right_logical3A_158 = arith.constant 16 : i32
      %shift_right_logical3A_159 = vector.broadcast %shift_right_logical3A_158 : i32 to vector<16xi32>
      %shift_right_logical3A_160 = arith.shrui %get3A_154, %shift_right_logical3A_159 : vector<16xi32>
      %gather3A_161 = tpu.vector_load_idx %arg5[%and3A_157] : memref<65536xf32, #tpu.memory_space<vmem>>[vector<16xi32>], vector<16xf32>,
      %add3A_162 = arith.addf %scan3A_136, %gather3A_161 : vector<16xf32>
      %gather3A_163 = tpu.vector_load_idx %arg5[%shift_right_logical3A_160] : memref<65536xf32, #tpu.memory_space<vmem>>[vector<16xi32>], vector<16xf32>,
      %add3A_164 = arith.addf %add3A_162, %gather3A_163 : vector<16xf32>
      %get3A_165 = arith.index_cast %scan3A_134 : i32 to index
      %get3A_166 = arith.constant 32 : index
      %get3A_167 = tpu.vector_load %arg6[%get3A_165, %get3A_166] {strides = array<i32>} : memref<128x128xi32, #tpu.memory_space<vmem>>, vector<16xi32>,
      %and3A_168 = arith.constant 65535 : i32
      %and3A_169 = vector.broadcast %and3A_168 : i32 to vector<16xi32>
      %and3A_170 = arith.andi %get3A_167, %and3A_169 : vector<16xi32>
      %shift_right_logical3A_171 = arith.constant 16 : i32
      %shift_right_logical3A_172 = vector.broadcast %shift_right_logical3A_171 : i32 to vector<16xi32>
      %shift_right_logical3A_173 = arith.shrui %get3A_167, %shift_right_logical3A_172 : vector<16xi32>
      %gather3A_174 = tpu.vector_load_idx %arg5[%and3A_170] : memref<65536xf32, #tpu.memory_space<vmem>>[vector<16xi32>], vector<16xf32>,
      %add3A_175 = arith.addf %scan3A_137, %gather3A_174 : vector<16xf32>
      %gather3A_176 = tpu.vector_load_idx %arg5[%shift_right_logical3A_173] : memref<65536xf32, #tpu.memory_space<vmem>>[vector<16xi32>], vector<16xf32>,
      %add3A_177 = arith.addf %add3A_175, %gather3A_176 : vector<16xf32>
      %get3A_178 = arith.index_cast %scan3A_134 : i32 to index
      %get3A_179 = arith.constant 48 : index
      %get3A_180 = tpu.vector_load %arg6[%get3A_178, %get3A_179] {strides = array<i32>} : memref<128x128xi32, #tpu.memory_space<vmem>>, vector<16xi32>,
      %and3A_181 = arith.constant 65535 : i32
      %and3A_182 = vector.broadcast %and3A_181 : i32 to vector<16xi32>
      %and3A_183 = arith.andi %get3A_180, %and3A_182 : vector<16xi32>
      %shift_right_logical3A_184 = arith.constant 16 : i32
      %shift_right_logical3A_185 = vector.broadcast %shift_right_logical3A_184 : i32 to vector<16xi32>
      %shift_right_logical3A_186 = arith.shrui %get3A_180, %shift_right_logical3A_185 : vector<16xi32>
      %gather3A_187 = tpu.vector_load_idx %arg5[%and3A_183] : memref<65536xf32, #tpu.memory_space<vmem>>[vector<16xi32>], vector<16xf32>,
      %add3A_188 = arith.addf %scan3A_138, %gather3A_187 : vector<16xf32>
      %gather3A_189 = tpu.vector_load_idx %arg5[%shift_right_logical3A_186] : memref<65536xf32, #tpu.memory_space<vmem>>[vector<16xi32>], vector<16xf32>,
      %add3A_190 = arith.addf %add3A_188, %gather3A_189 : vector<16xf32>
      %get3A_191 = arith.index_cast %scan3A_134 : i32 to index
      %get3A_192 = arith.constant 64 : index
      %get3A_193 = tpu.vector_load %arg6[%get3A_191, %get3A_192] {strides = array<i32>} : memref<128x128xi32, #tpu.memory_space<vmem>>, vector<16xi32>,
      %and3A_194 = arith.constant 65535 : i32
      %and3A_195 = vector.broadcast %and3A_194 : i32 to vector<16xi32>
      %and3A_196 = arith.andi %get3A_193, %and3A_195 : vector<16xi32>
      %shift_right_logical3A_197 = arith.constant 16 : i32
      %shift_right_logical3A_198 = vector.broadcast %shift_right_logical3A_197 : i32 to vector<16xi32>
      %shift_right_logical3A_199 = arith.shrui %get3A_193, %shift_right_logical3A_198 : vector<16xi32>
      %gather3A_200 = tpu.vector_load_idx %arg5[%and3A_196] : memref<65536xf32, #tpu.memory_space<vmem>>[vector<16xi32>], vector<16xf32>,
      %add3A_201 = arith.addf %scan3A_139, %gather3A_200 : vector<16xf32>
      %gather3A_202 = tpu.vector_load_idx %arg5[%shift_right_logical3A_199] : memref<65536xf32, #tpu.memory_space<vmem>>[vector<16xi32>], vector<16xf32>,
      %add3A_203 = arith.addf %add3A_201, %gather3A_202 : vector<16xf32>
      %get3A_204 = arith.index_cast %scan3A_134 : i32 to index
      %get3A_205 = arith.constant 80 : index
      %get3A_206 = tpu.vector_load %arg6[%get3A_204, %get3A_205] {strides = array<i32>} : memref<128x128xi32, #tpu.memory_space<vmem>>, vector<16xi32>,
      %and3A_207 = arith.constant 65535 : i32
      %and3A_208 = vector.broadcast %and3A_207 : i32 to vector<16xi32>
      %and3A_209 = arith.andi %get3A_206, %and3A_208 : vector<16xi32>
      %shift_right_logical3A_210 = arith.constant 16 : i32
      %shift_right_logical3A_211 = vector.broadcast %shift_right_logical3A_210 : i32 to vector<16xi32>
      %shift_right_logical3A_212 = arith.shrui %get3A_206, %shift_right_logical3A_211 : vector<16xi32>
      %gather3A_213 = tpu.vector_load_idx %arg5[%and3A_209] : memref<65536xf32, #tpu.memory_space<vmem>>[vector<16xi32>], vector<16xf32>,
      %add3A_214 = arith.addf %scan3A_140, %gather3A_213 : vector<16xf32>
      %gather3A_215 = tpu.vector_load_idx %arg5[%shift_right_logical3A_212] : memref<65536xf32, #tpu.memory_space<vmem>>[vector<16xi32>], vector<16xf32>,
      %add3A_216 = arith.addf %add3A_214, %gather3A_215 : vector<16xf32>
      %get3A_217 = arith.index_cast %scan3A_134 : i32 to index
      %get3A_218 = arith.constant 96 : index
      %get3A_219 = tpu.vector_load %arg6[%get3A_217, %get3A_218] {strides = array<i32>} : memref<128x128xi32, #tpu.memory_space<vmem>>, vector<16xi32>,
      %and3A_220 = arith.constant 65535 : i32
      %and3A_221 = vector.broadcast %and3A_220 : i32 to vector<16xi32>
      %and3A_222 = arith.andi %get3A_219, %and3A_221 : vector<16xi32>
      %shift_right_logical3A_223 = arith.constant 16 : i32
      %shift_right_logical3A_224 = vector.broadcast %shift_right_logical3A_223 : i32 to vector<16xi32>
      %shift_right_logical3A_225 = arith.shrui %get3A_219, %shift_right_logical3A_224 : vector<16xi32>
      %gather3A_226 = tpu.vector_load_idx %arg5[%and3A_222] : memref<65536xf32, #tpu.memory_space<vmem>>[vector<16xi32>], vector<16xf32>,
      %add3A_227 = arith.addf %scan3A_141, %gather3A_226 : vector<16xf32>
      %gather3A_228 = tpu.vector_load_idx %arg5[%shift_right_logical3A_225] : memref<65536xf32, #tpu.memory_space<vmem>>[vector<16xi32>], vector<16xf32>,
      %add3A_229 = arith.addf %add3A_227, %gather3A_228 : vector<16xf32>
      %get3A_230 = arith.index_cast %scan3A_134 : i32 to index
      %get3A_231 = arith.constant 112 : index
      %get3A_232 = tpu.vector_load %arg6[%get3A_230, %get3A_231] {strides = array<i32>} : memref<128x128xi32, #tpu.memory_space<vmem>>, vector<16xi32>,
      %and3A_233 = arith.constant 65535 : i32
      %and3A_234 = vector.broadcast %and3A_233 : i32 to vector<16xi32>
      %and3A_235 = arith.andi %get3A_232, %and3A_234 : vector<16xi32>
      %shift_right_logical3A_236 = arith.constant 16 : i32
      %shift_right_logical3A_237 = vector.broadcast %shift_right_logical3A_236 : i32 to vector<16xi32>
      %shift_right_logical3A_238 = arith.shrui %get3A_232, %shift_right_logical3A_237 : vector<16xi32>
      %gather3A_239 = tpu.vector_load_idx %arg5[%and3A_235] : memref<65536xf32, #tpu.memory_space<vmem>>[vector<16xi32>], vector<16xf32>,
      %add3A_240 = arith.addf %scan3A_142, %gather3A_239 : vector<16xf32>
      %gather3A_241 = tpu.vector_load_idx %arg5[%shift_right_logical3A_238] : memref<65536xf32, #tpu.memory_space<vmem>>[vector<16xi32>], vector<16xf32>,
      %add3A_242 = arith.addf %add3A_240, %gather3A_241 : vector<16xf32>
      scf.yield %add3A_151, %add3A_164, %add3A_177, %add3A_190, %add3A_203, %add3A_216, %add3A_229, %add3A_242 : vector<16xf32>, vector<16xf32>, vector<16xf32>, vector<16xf32>, vector<16xf32>, vector<16xf32>, vector<16xf32>, vector<16xf32>
    }
    %scan3A_22 = arith.constant 128 : i32
    %swap3A = arith.constant 0 : index
    %swap3A_23 = tpu.vector_load %arg8[%swap3A] {strides = array<i32>} : memref<512xf32, #tpu.memory_space<vmem>>, vector<16xf32>,
    tpu.vector_store %arg8[%swap3A], %scan3A_21#0 {strides = array<i32>} : memref<512xf32, #tpu.memory_space<vmem>>, vector<16xf32>,
    %swap3A_24 = arith.constant 16 : index
    %swap3A_25 = tpu.vector_load %arg8[%swap3A_24] {strides = array<i32>} : memref<512xf32, #tpu.memory_space<vmem>>, vector<16xf32>,
    tpu.vector_store %arg8[%swap3A_24], %scan3A_21#1 {strides = array<i32>} : memref<512xf32, #tpu.memory_space<vmem>>, vector<16xf32>,
    %swap3A_26 = arith.constant 32 : index
    %swap3A_27 = tpu.vector_load %arg8[%swap3A_26] {strides = array<i32>} : memref<512xf32, #tpu.memory_space<vmem>>, vector<16xf32>,
    tpu.vector_store %arg8[%swap3A_26], %scan3A_21#2 {strides = array<i32>} : memref<512xf32, #tpu.memory_space<vmem>>, vector<16xf32>,
    %swap3A_28 = arith.constant 48 : index
    %swap3A_29 = tpu.vector_load %arg8[%swap3A_28] {strides = array<i32>} : memref<512xf32, #tpu.memory_space<vmem>>, vector<16xf32>,
    tpu.vector_store %arg8[%swap3A_28], %scan3A_21#3 {strides = array<i32>} : memref<512xf32, #tpu.memory_space<vmem>>, vector<16xf32>,
    %swap3A_30 = arith.constant 64 : index
    %swap3A_31 = tpu.vector_load %arg8[%swap3A_30] {strides = array<i32>} : memref<512xf32, #tpu.memory_space<vmem>>, vector<16xf32>,
    tpu.vector_store %arg8[%swap3A_30], %scan3A_21#4 {strides = array<i32>} : memref<512xf32, #tpu.memory_space<vmem>>, vector<16xf32>,
    %swap3A_32 = arith.constant 80 : index
    %swap3A_33 = tpu.vector_load %arg8[%swap3A_32] {strides = array<i32>} : memref<512xf32, #tpu.memory_space<vmem>>, vector<16xf32>,
    tpu.vector_store %arg8[%swap3A_32], %scan3A_21#5 {strides = array<i32>} : memref<512xf32, #tpu.memory_space<vmem>>, vector<16xf32>,
    %swap3A_34 = arith.constant 96 : index
    %swap3A_35 = tpu.vector_load %arg8[%swap3A_34] {strides = array<i32>} : memref<512xf32, #tpu.memory_space<vmem>>, vector<16xf32>,
    tpu.vector_store %arg8[%swap3A_34], %scan3A_21#6 {strides = array<i32>} : memref<512xf32, #tpu.memory_space<vmem>>, vector<16xf32>,
    %swap3A_36 = arith.constant 112 : index
    %swap3A_37 = tpu.vector_load %arg8[%swap3A_36] {strides = array<i32>} : memref<512xf32, #tpu.memory_space<vmem>>, vector<16xf32>,
    tpu.vector_store %arg8[%swap3A_36], %scan3A_21#7 {strides = array<i32>} : memref<512xf32, #tpu.memory_space<vmem>>, vector<16xf32>,
    %add3A_38 = arith.constant 256 : i32
    %add3A_39 = arith.addi %mul3A_2, %add3A_38 : i32
    %dma_start3A_40 = arith.constant 0 : i32
    %dma_start3A_41 = tpu.memref_slice %arg2[%dma_start3A_40, %add3A_39] : memref<128x16384xi32, #tpu.memory_space<hbm>> -> memref<128x128xi32, #tpu.memory_space<hbm>>
    %dma_start3A_42 = arith.constant 0 : i32
    %dma_start3A_43 = tpu.memref_slice %arg2[%dma_start3A_42, %add3A_39] : memref<128x16384xi32, #tpu.memory_space<hbm>> -> memref<128x128xi32, #tpu.memory_space<hbm>>
    tpu.enqueue_dma source(%dma_start3A_43 : memref<128x128xi32, #tpu.memory_space<hbm>>) target(%arg6 : memref<128x128xi32, #tpu.memory_space<vmem>>) target_semaphore(%arg9 : memref<!tpu.dma_semaphore, #tpu.memory_space<semaphore_mem>>)
    %dma_wait3A_44 = arith.constant 0 : i32
    %dma_wait3A_45 = tpu.memref_slice %arg2[%dma_wait3A_44, %add3A_9] : memref<128x16384xi32, #tpu.memory_space<hbm>> -> memref<128x128xi32, #tpu.memory_space<hbm>>
    %dma_wait3A_46 = arith.constant 0 : i32
    %dma_wait3A_47 = tpu.memref_slice %arg2[%dma_wait3A_46, %add3A_9] : memref<128x16384xi32, #tpu.memory_space<hbm>> -> memref<128x128xi32, #tpu.memory_space<hbm>>
    tpu.wait_dma2 semaphore(%arg10 : memref<!tpu.dma_semaphore, #tpu.memory_space<semaphore_mem>>) src(%dma_wait3A_47 : memref<128x128xi32, #tpu.memory_space<hbm>>) dst(%arg7 : memref<128x128xi32, #tpu.memory_space<vmem>>)
    %broadcast_in_dim3A_48 = arith.constant 0.000000e+00 : f32
    %broadcast_in_dim3A_49 = vector.broadcast %broadcast_in_dim3A_48 : f32 to vector<16xf32>
    %scan3A_50 = arith.constant 0 : i32
    %scan3A_51 = arith.constant 128 : i32
    %scan3A_52 = arith.addi %scan3A_50, %scan3A_51 : i32
    %scan3A_53 = arith.constant 1 : i32
    %scan3A_54:8 = scf.for %scan3A_134 = %scan3A_50 to %scan3A_52 step %scan3A_53 iter_args(%scan3A_135 = %broadcast_in_dim3A_49, %scan3A_136 = %broadcast_in_dim3A_49, %scan3A_137 = %broadcast_in_dim3A_49, %scan3A_138 = %broadcast_in_dim3A_49, %scan3A_139 = %broadcast_in_dim3A_49, %scan3A_140 = %broadcast_in_dim3A_49, %scan3A_141 = %broadcast_in_dim3A_49, %scan3A_142 = %broadcast_in_dim3A_49) -> (vector<16xf32>, vector<16xf32>, vector<16xf32>, vector<16xf32>, vector<16xf32>, vector<16xf32>, vector<16xf32>, vector<16xf32>)  : i32 {
      %get3A = arith.index_cast %scan3A_134 : i32 to index
      %get3A_143 = arith.constant 0 : index
      %get3A_144 = tpu.vector_load %arg7[%get3A, %get3A_143] {strides = array<i32>} : memref<128x128xi32, #tpu.memory_space<vmem>>, vector<16xi32>,
      %and3A = arith.constant 65535 : i32
      %and3A_145 = vector.broadcast %and3A : i32 to vector<16xi32>
      %and3A_146 = arith.andi %get3A_144, %and3A_145 : vector<16xi32>
      %shift_right_logical3A = arith.constant 16 : i32
      %shift_right_logical3A_147 = vector.broadcast %shift_right_logical3A : i32 to vector<16xi32>
      %shift_right_logical3A_148 = arith.shrui %get3A_144, %shift_right_logical3A_147 : vector<16xi32>
      %gather3A = tpu.vector_load_idx %arg5[%and3A_146] : memref<65536xf32, #tpu.memory_space<vmem>>[vector<16xi32>], vector<16xf32>,
      %add3A_149 = arith.addf %scan3A_135, %gather3A : vector<16xf32>
      %gather3A_150 = tpu.vector_load_idx %arg5[%shift_right_logical3A_148] : memref<65536xf32, #tpu.memory_space<vmem>>[vector<16xi32>], vector<16xf32>,
      %add3A_151 = arith.addf %add3A_149, %gather3A_150 : vector<16xf32>
      %get3A_152 = arith.index_cast %scan3A_134 : i32 to index
      %get3A_153 = arith.constant 16 : index
      %get3A_154 = tpu.vector_load %arg7[%get3A_152, %get3A_153] {strides = array<i32>} : memref<128x128xi32, #tpu.memory_space<vmem>>, vector<16xi32>,
      %and3A_155 = arith.constant 65535 : i32
      %and3A_156 = vector.broadcast %and3A_155 : i32 to vector<16xi32>
      %and3A_157 = arith.andi %get3A_154, %and3A_156 : vector<16xi32>
      %shift_right_logical3A_158 = arith.constant 16 : i32
      %shift_right_logical3A_159 = vector.broadcast %shift_right_logical3A_158 : i32 to vector<16xi32>
      %shift_right_logical3A_160 = arith.shrui %get3A_154, %shift_right_logical3A_159 : vector<16xi32>
      %gather3A_161 = tpu.vector_load_idx %arg5[%and3A_157] : memref<65536xf32, #tpu.memory_space<vmem>>[vector<16xi32>], vector<16xf32>,
      %add3A_162 = arith.addf %scan3A_136, %gather3A_161 : vector<16xf32>
      %gather3A_163 = tpu.vector_load_idx %arg5[%shift_right_logical3A_160] : memref<65536xf32, #tpu.memory_space<vmem>>[vector<16xi32>], vector<16xf32>,
      %add3A_164 = arith.addf %add3A_162, %gather3A_163 : vector<16xf32>
      %get3A_165 = arith.index_cast %scan3A_134 : i32 to index
      %get3A_166 = arith.constant 32 : index
      %get3A_167 = tpu.vector_load %arg7[%get3A_165, %get3A_166] {strides = array<i32>} : memref<128x128xi32, #tpu.memory_space<vmem>>, vector<16xi32>,
      %and3A_168 = arith.constant 65535 : i32
      %and3A_169 = vector.broadcast %and3A_168 : i32 to vector<16xi32>
      %and3A_170 = arith.andi %get3A_167, %and3A_169 : vector<16xi32>
      %shift_right_logical3A_171 = arith.constant 16 : i32
      %shift_right_logical3A_172 = vector.broadcast %shift_right_logical3A_171 : i32 to vector<16xi32>
      %shift_right_logical3A_173 = arith.shrui %get3A_167, %shift_right_logical3A_172 : vector<16xi32>
      %gather3A_174 = tpu.vector_load_idx %arg5[%and3A_170] : memref<65536xf32, #tpu.memory_space<vmem>>[vector<16xi32>], vector<16xf32>,
      %add3A_175 = arith.addf %scan3A_137, %gather3A_174 : vector<16xf32>
      %gather3A_176 = tpu.vector_load_idx %arg5[%shift_right_logical3A_173] : memref<65536xf32, #tpu.memory_space<vmem>>[vector<16xi32>], vector<16xf32>,
      %add3A_177 = arith.addf %add3A_175, %gather3A_176 : vector<16xf32>
      %get3A_178 = arith.index_cast %scan3A_134 : i32 to index
      %get3A_179 = arith.constant 48 : index
      %get3A_180 = tpu.vector_load %arg7[%get3A_178, %get3A_179] {strides = array<i32>} : memref<128x128xi32, #tpu.memory_space<vmem>>, vector<16xi32>,
      %and3A_181 = arith.constant 65535 : i32
      %and3A_182 = vector.broadcast %and3A_181 : i32 to vector<16xi32>
      %and3A_183 = arith.andi %get3A_180, %and3A_182 : vector<16xi32>
      %shift_right_logical3A_184 = arith.constant 16 : i32
      %shift_right_logical3A_185 = vector.broadcast %shift_right_logical3A_184 : i32 to vector<16xi32>
      %shift_right_logical3A_186 = arith.shrui %get3A_180, %shift_right_logical3A_185 : vector<16xi32>
      %gather3A_187 = tpu.vector_load_idx %arg5[%and3A_183] : memref<65536xf32, #tpu.memory_space<vmem>>[vector<16xi32>], vector<16xf32>,
      %add3A_188 = arith.addf %scan3A_138, %gather3A_187 : vector<16xf32>
      %gather3A_189 = tpu.vector_load_idx %arg5[%shift_right_logical3A_186] : memref<65536xf32, #tpu.memory_space<vmem>>[vector<16xi32>], vector<16xf32>,
      %add3A_190 = arith.addf %add3A_188, %gather3A_189 : vector<16xf32>
      %get3A_191 = arith.index_cast %scan3A_134 : i32 to index
      %get3A_192 = arith.constant 64 : index
      %get3A_193 = tpu.vector_load %arg7[%get3A_191, %get3A_192] {strides = array<i32>} : memref<128x128xi32, #tpu.memory_space<vmem>>, vector<16xi32>,
      %and3A_194 = arith.constant 65535 : i32
      %and3A_195 = vector.broadcast %and3A_194 : i32 to vector<16xi32>
      %and3A_196 = arith.andi %get3A_193, %and3A_195 : vector<16xi32>
      %shift_right_logical3A_197 = arith.constant 16 : i32
      %shift_right_logical3A_198 = vector.broadcast %shift_right_logical3A_197 : i32 to vector<16xi32>
      %shift_right_logical3A_199 = arith.shrui %get3A_193, %shift_right_logical3A_198 : vector<16xi32>
      %gather3A_200 = tpu.vector_load_idx %arg5[%and3A_196] : memref<65536xf32, #tpu.memory_space<vmem>>[vector<16xi32>], vector<16xf32>,
      %add3A_201 = arith.addf %scan3A_139, %gather3A_200 : vector<16xf32>
      %gather3A_202 = tpu.vector_load_idx %arg5[%shift_right_logical3A_199] : memref<65536xf32, #tpu.memory_space<vmem>>[vector<16xi32>], vector<16xf32>,
      %add3A_203 = arith.addf %add3A_201, %gather3A_202 : vector<16xf32>
      %get3A_204 = arith.index_cast %scan3A_134 : i32 to index
      %get3A_205 = arith.constant 80 : index
      %get3A_206 = tpu.vector_load %arg7[%get3A_204, %get3A_205] {strides = array<i32>} : memref<128x128xi32, #tpu.memory_space<vmem>>, vector<16xi32>,
      %and3A_207 = arith.constant 65535 : i32
      %and3A_208 = vector.broadcast %and3A_207 : i32 to vector<16xi32>
      %and3A_209 = arith.andi %get3A_206, %and3A_208 : vector<16xi32>
      %shift_right_logical3A_210 = arith.constant 16 : i32
      %shift_right_logical3A_211 = vector.broadcast %shift_right_logical3A_210 : i32 to vector<16xi32>
      %shift_right_logical3A_212 = arith.shrui %get3A_206, %shift_right_logical3A_211 : vector<16xi32>
      %gather3A_213 = tpu.vector_load_idx %arg5[%and3A_209] : memref<65536xf32, #tpu.memory_space<vmem>>[vector<16xi32>], vector<16xf32>,
      %add3A_214 = arith.addf %scan3A_140, %gather3A_213 : vector<16xf32>
      %gather3A_215 = tpu.vector_load_idx %arg5[%shift_right_logical3A_212] : memref<65536xf32, #tpu.memory_space<vmem>>[vector<16xi32>], vector<16xf32>,
      %add3A_216 = arith.addf %add3A_214, %gather3A_215 : vector<16xf32>
      %get3A_217 = arith.index_cast %scan3A_134 : i32 to index
      %get3A_218 = arith.constant 96 : index
      %get3A_219 = tpu.vector_load %arg7[%get3A_217, %get3A_218] {strides = array<i32>} : memref<128x128xi32, #tpu.memory_space<vmem>>, vector<16xi32>,
      %and3A_220 = arith.constant 65535 : i32
      %and3A_221 = vector.broadcast %and3A_220 : i32 to vector<16xi32>
      %and3A_222 = arith.andi %get3A_219, %and3A_221 : vector<16xi32>
      %shift_right_logical3A_223 = arith.constant 16 : i32
      %shift_right_logical3A_224 = vector.broadcast %shift_right_logical3A_223 : i32 to vector<16xi32>
      %shift_right_logical3A_225 = arith.shrui %get3A_219, %shift_right_logical3A_224 : vector<16xi32>
      %gather3A_226 = tpu.vector_load_idx %arg5[%and3A_222] : memref<65536xf32, #tpu.memory_space<vmem>>[vector<16xi32>], vector<16xf32>,
      %add3A_227 = arith.addf %scan3A_141, %gather3A_226 : vector<16xf32>
      %gather3A_228 = tpu.vector_load_idx %arg5[%shift_right_logical3A_225] : memref<65536xf32, #tpu.memory_space<vmem>>[vector<16xi32>], vector<16xf32>,
      %add3A_229 = arith.addf %add3A_227, %gather3A_228 : vector<16xf32>
      %get3A_230 = arith.index_cast %scan3A_134 : i32 to index
      %get3A_231 = arith.constant 112 : index
      %get3A_232 = tpu.vector_load %arg7[%get3A_230, %get3A_231] {strides = array<i32>} : memref<128x128xi32, #tpu.memory_space<vmem>>, vector<16xi32>,
      %and3A_233 = arith.constant 65535 : i32
      %and3A_234 = vector.broadcast %and3A_233 : i32 to vector<16xi32>
      %and3A_235 = arith.andi %get3A_232, %and3A_234 : vector<16xi32>
      %shift_right_logical3A_236 = arith.constant 16 : i32
      %shift_right_logical3A_237 = vector.broadcast %shift_right_logical3A_236 : i32 to vector<16xi32>
      %shift_right_logical3A_238 = arith.shrui %get3A_232, %shift_right_logical3A_237 : vector<16xi32>
      %gather3A_239 = tpu.vector_load_idx %arg5[%and3A_235] : memref<65536xf32, #tpu.memory_space<vmem>>[vector<16xi32>], vector<16xf32>,
      %add3A_240 = arith.addf %scan3A_142, %gather3A_239 : vector<16xf32>
      %gather3A_241 = tpu.vector_load_idx %arg5[%shift_right_logical3A_238] : memref<65536xf32, #tpu.memory_space<vmem>>[vector<16xi32>], vector<16xf32>,
      %add3A_242 = arith.addf %add3A_240, %gather3A_241 : vector<16xf32>
      scf.yield %add3A_151, %add3A_164, %add3A_177, %add3A_190, %add3A_203, %add3A_216, %add3A_229, %add3A_242 : vector<16xf32>, vector<16xf32>, vector<16xf32>, vector<16xf32>, vector<16xf32>, vector<16xf32>, vector<16xf32>, vector<16xf32>
    }
    %scan3A_55 = arith.constant 128 : i32
    %swap3A_56 = arith.constant 128 : index
    %swap3A_57 = tpu.vector_load %arg8[%swap3A_56] {strides = array<i32>} : memref<512xf32, #tpu.memory_space<vmem>>, vector<16xf32>,
    tpu.vector_store %arg8[%swap3A_56], %scan3A_54#0 {strides = array<i32>} : memref<512xf32, #tpu.memory_space<vmem>>, vector<16xf32>,
    %swap3A_58 = arith.constant 144 : index
    %swap3A_59 = tpu.vector_load %arg8[%swap3A_58] {strides = array<i32>} : memref<512xf32, #tpu.memory_space<vmem>>, vector<16xf32>,
    tpu.vector_store %arg8[%swap3A_58], %scan3A_54#1 {strides = array<i32>} : memref<512xf32, #tpu.memory_space<vmem>>, vector<16xf32>,
    %swap3A_60 = arith.constant 160 : index
    %swap3A_61 = tpu.vector_load %arg8[%swap3A_60] {strides = array<i32>} : memref<512xf32, #tpu.memory_space<vmem>>, vector<16xf32>,
    tpu.vector_store %arg8[%swap3A_60], %scan3A_54#2 {strides = array<i32>} : memref<512xf32, #tpu.memory_space<vmem>>, vector<16xf32>,
    %swap3A_62 = arith.constant 176 : index
    %swap3A_63 = tpu.vector_load %arg8[%swap3A_62] {strides = array<i32>} : memref<512xf32, #tpu.memory_space<vmem>>, vector<16xf32>,
    tpu.vector_store %arg8[%swap3A_62], %scan3A_54#3 {strides = array<i32>} : memref<512xf32, #tpu.memory_space<vmem>>, vector<16xf32>,
    %swap3A_64 = arith.constant 192 : index
    %swap3A_65 = tpu.vector_load %arg8[%swap3A_64] {strides = array<i32>} : memref<512xf32, #tpu.memory_space<vmem>>, vector<16xf32>,
    tpu.vector_store %arg8[%swap3A_64], %scan3A_54#4 {strides = array<i32>} : memref<512xf32, #tpu.memory_space<vmem>>, vector<16xf32>,
    %swap3A_66 = arith.constant 208 : index
    %swap3A_67 = tpu.vector_load %arg8[%swap3A_66] {strides = array<i32>} : memref<512xf32, #tpu.memory_space<vmem>>, vector<16xf32>,
    tpu.vector_store %arg8[%swap3A_66], %scan3A_54#5 {strides = array<i32>} : memref<512xf32, #tpu.memory_space<vmem>>, vector<16xf32>,
    %swap3A_68 = arith.constant 224 : index
    %swap3A_69 = tpu.vector_load %arg8[%swap3A_68] {strides = array<i32>} : memref<512xf32, #tpu.memory_space<vmem>>, vector<16xf32>,
    tpu.vector_store %arg8[%swap3A_68], %scan3A_54#6 {strides = array<i32>} : memref<512xf32, #tpu.memory_space<vmem>>, vector<16xf32>,
    %swap3A_70 = arith.constant 240 : index
    %swap3A_71 = tpu.vector_load %arg8[%swap3A_70] {strides = array<i32>} : memref<512xf32, #tpu.memory_space<vmem>>, vector<16xf32>,
    tpu.vector_store %arg8[%swap3A_70], %scan3A_54#7 {strides = array<i32>} : memref<512xf32, #tpu.memory_space<vmem>>, vector<16xf32>,
    %add3A_72 = arith.constant 384 : i32
    %add3A_73 = arith.addi %mul3A_2, %add3A_72 : i32
    %dma_start3A_74 = arith.constant 0 : i32
    %dma_start3A_75 = tpu.memref_slice %arg2[%dma_start3A_74, %add3A_73] : memref<128x16384xi32, #tpu.memory_space<hbm>> -> memref<128x128xi32, #tpu.memory_space<hbm>>
    %dma_start3A_76 = arith.constant 0 : i32
    %dma_start3A_77 = tpu.memref_slice %arg2[%dma_start3A_76, %add3A_73] : memref<128x16384xi32, #tpu.memory_space<hbm>> -> memref<128x128xi32, #tpu.memory_space<hbm>>
    tpu.enqueue_dma source(%dma_start3A_77 : memref<128x128xi32, #tpu.memory_space<hbm>>) target(%arg7 : memref<128x128xi32, #tpu.memory_space<vmem>>) target_semaphore(%arg10 : memref<!tpu.dma_semaphore, #tpu.memory_space<semaphore_mem>>)
    %dma_wait3A_78 = arith.constant 0 : i32
    %dma_wait3A_79 = tpu.memref_slice %arg2[%dma_wait3A_78, %add3A_39] : memref<128x16384xi32, #tpu.memory_space<hbm>> -> memref<128x128xi32, #tpu.memory_space<hbm>>
    %dma_wait3A_80 = arith.constant 0 : i32
    %dma_wait3A_81 = tpu.memref_slice %arg2[%dma_wait3A_80, %add3A_39] : memref<128x16384xi32, #tpu.memory_space<hbm>> -> memref<128x128xi32, #tpu.memory_space<hbm>>
    tpu.wait_dma2 semaphore(%arg9 : memref<!tpu.dma_semaphore, #tpu.memory_space<semaphore_mem>>) src(%dma_wait3A_81 : memref<128x128xi32, #tpu.memory_space<hbm>>) dst(%arg6 : memref<128x128xi32, #tpu.memory_space<vmem>>)
    %broadcast_in_dim3A_82 = arith.constant 0.000000e+00 : f32
    %broadcast_in_dim3A_83 = vector.broadcast %broadcast_in_dim3A_82 : f32 to vector<16xf32>
    %scan3A_84 = arith.constant 0 : i32
    %scan3A_85 = arith.constant 128 : i32
    %scan3A_86 = arith.addi %scan3A_84, %scan3A_85 : i32
    %scan3A_87 = arith.constant 1 : i32
    %scan3A_88:8 = scf.for %scan3A_134 = %scan3A_84 to %scan3A_86 step %scan3A_87 iter_args(%scan3A_135 = %broadcast_in_dim3A_83, %scan3A_136 = %broadcast_in_dim3A_83, %scan3A_137 = %broadcast_in_dim3A_83, %scan3A_138 = %broadcast_in_dim3A_83, %scan3A_139 = %broadcast_in_dim3A_83, %scan3A_140 = %broadcast_in_dim3A_83, %scan3A_141 = %broadcast_in_dim3A_83, %scan3A_142 = %broadcast_in_dim3A_83) -> (vector<16xf32>, vector<16xf32>, vector<16xf32>, vector<16xf32>, vector<16xf32>, vector<16xf32>, vector<16xf32>, vector<16xf32>)  : i32 {
      %get3A = arith.index_cast %scan3A_134 : i32 to index
      %get3A_143 = arith.constant 0 : index
      %get3A_144 = tpu.vector_load %arg6[%get3A, %get3A_143] {strides = array<i32>} : memref<128x128xi32, #tpu.memory_space<vmem>>, vector<16xi32>,
      %and3A = arith.constant 65535 : i32
      %and3A_145 = vector.broadcast %and3A : i32 to vector<16xi32>
      %and3A_146 = arith.andi %get3A_144, %and3A_145 : vector<16xi32>
      %shift_right_logical3A = arith.constant 16 : i32
      %shift_right_logical3A_147 = vector.broadcast %shift_right_logical3A : i32 to vector<16xi32>
      %shift_right_logical3A_148 = arith.shrui %get3A_144, %shift_right_logical3A_147 : vector<16xi32>
      %gather3A = tpu.vector_load_idx %arg5[%and3A_146] : memref<65536xf32, #tpu.memory_space<vmem>>[vector<16xi32>], vector<16xf32>,
      %add3A_149 = arith.addf %scan3A_135, %gather3A : vector<16xf32>
      %gather3A_150 = tpu.vector_load_idx %arg5[%shift_right_logical3A_148] : memref<65536xf32, #tpu.memory_space<vmem>>[vector<16xi32>], vector<16xf32>,
      %add3A_151 = arith.addf %add3A_149, %gather3A_150 : vector<16xf32>
      %get3A_152 = arith.index_cast %scan3A_134 : i32 to index
      %get3A_153 = arith.constant 16 : index
      %get3A_154 = tpu.vector_load %arg6[%get3A_152, %get3A_153] {strides = array<i32>} : memref<128x128xi32, #tpu.memory_space<vmem>>, vector<16xi32>,
      %and3A_155 = arith.constant 65535 : i32
      %and3A_156 = vector.broadcast %and3A_155 : i32 to vector<16xi32>
      %and3A_157 = arith.andi %get3A_154, %and3A_156 : vector<16xi32>
      %shift_right_logical3A_158 = arith.constant 16 : i32
      %shift_right_logical3A_159 = vector.broadcast %shift_right_logical3A_158 : i32 to vector<16xi32>
      %shift_right_logical3A_160 = arith.shrui %get3A_154, %shift_right_logical3A_159 : vector<16xi32>
      %gather3A_161 = tpu.vector_load_idx %arg5[%and3A_157] : memref<65536xf32, #tpu.memory_space<vmem>>[vector<16xi32>], vector<16xf32>,
      %add3A_162 = arith.addf %scan3A_136, %gather3A_161 : vector<16xf32>
      %gather3A_163 = tpu.vector_load_idx %arg5[%shift_right_logical3A_160] : memref<65536xf32, #tpu.memory_space<vmem>>[vector<16xi32>], vector<16xf32>,
      %add3A_164 = arith.addf %add3A_162, %gather3A_163 : vector<16xf32>
      %get3A_165 = arith.index_cast %scan3A_134 : i32 to index
      %get3A_166 = arith.constant 32 : index
      %get3A_167 = tpu.vector_load %arg6[%get3A_165, %get3A_166] {strides = array<i32>} : memref<128x128xi32, #tpu.memory_space<vmem>>, vector<16xi32>,
      %and3A_168 = arith.constant 65535 : i32
      %and3A_169 = vector.broadcast %and3A_168 : i32 to vector<16xi32>
      %and3A_170 = arith.andi %get3A_167, %and3A_169 : vector<16xi32>
      %shift_right_logical3A_171 = arith.constant 16 : i32
      %shift_right_logical3A_172 = vector.broadcast %shift_right_logical3A_171 : i32 to vector<16xi32>
      %shift_right_logical3A_173 = arith.shrui %get3A_167, %shift_right_logical3A_172 : vector<16xi32>
      %gather3A_174 = tpu.vector_load_idx %arg5[%and3A_170] : memref<65536xf32, #tpu.memory_space<vmem>>[vector<16xi32>], vector<16xf32>,
      %add3A_175 = arith.addf %scan3A_137, %gather3A_174 : vector<16xf32>
      %gather3A_176 = tpu.vector_load_idx %arg5[%shift_right_logical3A_173] : memref<65536xf32, #tpu.memory_space<vmem>>[vector<16xi32>], vector<16xf32>,
      %add3A_177 = arith.addf %add3A_175, %gather3A_176 : vector<16xf32>
      %get3A_178 = arith.index_cast %scan3A_134 : i32 to index
      %get3A_179 = arith.constant 48 : index
      %get3A_180 = tpu.vector_load %arg6[%get3A_178, %get3A_179] {strides = array<i32>} : memref<128x128xi32, #tpu.memory_space<vmem>>, vector<16xi32>,
      %and3A_181 = arith.constant 65535 : i32
      %and3A_182 = vector.broadcast %and3A_181 : i32 to vector<16xi32>
      %and3A_183 = arith.andi %get3A_180, %and3A_182 : vector<16xi32>
      %shift_right_logical3A_184 = arith.constant 16 : i32
      %shift_right_logical3A_185 = vector.broadcast %shift_right_logical3A_184 : i32 to vector<16xi32>
      %shift_right_logical3A_186 = arith.shrui %get3A_180, %shift_right_logical3A_185 : vector<16xi32>
      %gather3A_187 = tpu.vector_load_idx %arg5[%and3A_183] : memref<65536xf32, #tpu.memory_space<vmem>>[vector<16xi32>], vector<16xf32>,
      %add3A_188 = arith.addf %scan3A_138, %gather3A_187 : vector<16xf32>
      %gather3A_189 = tpu.vector_load_idx %arg5[%shift_right_logical3A_186] : memref<65536xf32, #tpu.memory_space<vmem>>[vector<16xi32>], vector<16xf32>,
      %add3A_190 = arith.addf %add3A_188, %gather3A_189 : vector<16xf32>
      %get3A_191 = arith.index_cast %scan3A_134 : i32 to index
      %get3A_192 = arith.constant 64 : index
      %get3A_193 = tpu.vector_load %arg6[%get3A_191, %get3A_192] {strides = array<i32>} : memref<128x128xi32, #tpu.memory_space<vmem>>, vector<16xi32>,
      %and3A_194 = arith.constant 65535 : i32
      %and3A_195 = vector.broadcast %and3A_194 : i32 to vector<16xi32>
      %and3A_196 = arith.andi %get3A_193, %and3A_195 : vector<16xi32>
      %shift_right_logical3A_197 = arith.constant 16 : i32
      %shift_right_logical3A_198 = vector.broadcast %shift_right_logical3A_197 : i32 to vector<16xi32>
      %shift_right_logical3A_199 = arith.shrui %get3A_193, %shift_right_logical3A_198 : vector<16xi32>
      %gather3A_200 = tpu.vector_load_idx %arg5[%and3A_196] : memref<65536xf32, #tpu.memory_space<vmem>>[vector<16xi32>], vector<16xf32>,
      %add3A_201 = arith.addf %scan3A_139, %gather3A_200 : vector<16xf32>
      %gather3A_202 = tpu.vector_load_idx %arg5[%shift_right_logical3A_199] : memref<65536xf32, #tpu.memory_space<vmem>>[vector<16xi32>], vector<16xf32>,
      %add3A_203 = arith.addf %add3A_201, %gather3A_202 : vector<16xf32>
      %get3A_204 = arith.index_cast %scan3A_134 : i32 to index
      %get3A_205 = arith.constant 80 : index
      %get3A_206 = tpu.vector_load %arg6[%get3A_204, %get3A_205] {strides = array<i32>} : memref<128x128xi32, #tpu.memory_space<vmem>>, vector<16xi32>,
      %and3A_207 = arith.constant 65535 : i32
      %and3A_208 = vector.broadcast %and3A_207 : i32 to vector<16xi32>
      %and3A_209 = arith.andi %get3A_206, %and3A_208 : vector<16xi32>
      %shift_right_logical3A_210 = arith.constant 16 : i32
      %shift_right_logical3A_211 = vector.broadcast %shift_right_logical3A_210 : i32 to vector<16xi32>
      %shift_right_logical3A_212 = arith.shrui %get3A_206, %shift_right_logical3A_211 : vector<16xi32>
      %gather3A_213 = tpu.vector_load_idx %arg5[%and3A_209] : memref<65536xf32, #tpu.memory_space<vmem>>[vector<16xi32>], vector<16xf32>,
      %add3A_214 = arith.addf %scan3A_140, %gather3A_213 : vector<16xf32>
      %gather3A_215 = tpu.vector_load_idx %arg5[%shift_right_logical3A_212] : memref<65536xf32, #tpu.memory_space<vmem>>[vector<16xi32>], vector<16xf32>,
      %add3A_216 = arith.addf %add3A_214, %gather3A_215 : vector<16xf32>
      %get3A_217 = arith.index_cast %scan3A_134 : i32 to index
      %get3A_218 = arith.constant 96 : index
      %get3A_219 = tpu.vector_load %arg6[%get3A_217, %get3A_218] {strides = array<i32>} : memref<128x128xi32, #tpu.memory_space<vmem>>, vector<16xi32>,
      %and3A_220 = arith.constant 65535 : i32
      %and3A_221 = vector.broadcast %and3A_220 : i32 to vector<16xi32>
      %and3A_222 = arith.andi %get3A_219, %and3A_221 : vector<16xi32>
      %shift_right_logical3A_223 = arith.constant 16 : i32
      %shift_right_logical3A_224 = vector.broadcast %shift_right_logical3A_223 : i32 to vector<16xi32>
      %shift_right_logical3A_225 = arith.shrui %get3A_219, %shift_right_logical3A_224 : vector<16xi32>
      %gather3A_226 = tpu.vector_load_idx %arg5[%and3A_222] : memref<65536xf32, #tpu.memory_space<vmem>>[vector<16xi32>], vector<16xf32>,
      %add3A_227 = arith.addf %scan3A_141, %gather3A_226 : vector<16xf32>
      %gather3A_228 = tpu.vector_load_idx %arg5[%shift_right_logical3A_225] : memref<65536xf32, #tpu.memory_space<vmem>>[vector<16xi32>], vector<16xf32>,
      %add3A_229 = arith.addf %add3A_227, %gather3A_228 : vector<16xf32>
      %get3A_230 = arith.index_cast %scan3A_134 : i32 to index
      %get3A_231 = arith.constant 112 : index
      %get3A_232 = tpu.vector_load %arg6[%get3A_230, %get3A_231] {strides = array<i32>} : memref<128x128xi32, #tpu.memory_space<vmem>>, vector<16xi32>,
      %and3A_233 = arith.constant 65535 : i32
      %and3A_234 = vector.broadcast %and3A_233 : i32 to vector<16xi32>
      %and3A_235 = arith.andi %get3A_232, %and3A_234 : vector<16xi32>
      %shift_right_logical3A_236 = arith.constant 16 : i32
      %shift_right_logical3A_237 = vector.broadcast %shift_right_logical3A_236 : i32 to vector<16xi32>
      %shift_right_logical3A_238 = arith.shrui %get3A_232, %shift_right_logical3A_237 : vector<16xi32>
      %gather3A_239 = tpu.vector_load_idx %arg5[%and3A_235] : memref<65536xf32, #tpu.memory_space<vmem>>[vector<16xi32>], vector<16xf32>,
      %add3A_240 = arith.addf %scan3A_142, %gather3A_239 : vector<16xf32>
      %gather3A_241 = tpu.vector_load_idx %arg5[%shift_right_logical3A_238] : memref<65536xf32, #tpu.memory_space<vmem>>[vector<16xi32>], vector<16xf32>,
      %add3A_242 = arith.addf %add3A_240, %gather3A_241 : vector<16xf32>
      scf.yield %add3A_151, %add3A_164, %add3A_177, %add3A_190, %add3A_203, %add3A_216, %add3A_229, %add3A_242 : vector<16xf32>, vector<16xf32>, vector<16xf32>, vector<16xf32>, vector<16xf32>, vector<16xf32>, vector<16xf32>, vector<16xf32>
    }
    %scan3A_89 = arith.constant 128 : i32
    %swap3A_90 = arith.constant 256 : index
    %swap3A_91 = tpu.vector_load %arg8[%swap3A_90] {strides = array<i32>} : memref<512xf32, #tpu.memory_space<vmem>>, vector<16xf32>,
    tpu.vector_store %arg8[%swap3A_90], %scan3A_88#0 {strides = array<i32>} : memref<512xf32, #tpu.memory_space<vmem>>, vector<16xf32>,
    %swap3A_92 = arith.constant 272 : index
    %swap3A_93 = tpu.vector_load %arg8[%swap3A_92] {strides = array<i32>} : memref<512xf32, #tpu.memory_space<vmem>>, vector<16xf32>,
    tpu.vector_store %arg8[%swap3A_92], %scan3A_88#1 {strides = array<i32>} : memref<512xf32, #tpu.memory_space<vmem>>, vector<16xf32>,
    %swap3A_94 = arith.constant 288 : index
    %swap3A_95 = tpu.vector_load %arg8[%swap3A_94] {strides = array<i32>} : memref<512xf32, #tpu.memory_space<vmem>>, vector<16xf32>,
    tpu.vector_store %arg8[%swap3A_94], %scan3A_88#2 {strides = array<i32>} : memref<512xf32, #tpu.memory_space<vmem>>, vector<16xf32>,
    %swap3A_96 = arith.constant 304 : index
    %swap3A_97 = tpu.vector_load %arg8[%swap3A_96] {strides = array<i32>} : memref<512xf32, #tpu.memory_space<vmem>>, vector<16xf32>,
    tpu.vector_store %arg8[%swap3A_96], %scan3A_88#3 {strides = array<i32>} : memref<512xf32, #tpu.memory_space<vmem>>, vector<16xf32>,
    %swap3A_98 = arith.constant 320 : index
    %swap3A_99 = tpu.vector_load %arg8[%swap3A_98] {strides = array<i32>} : memref<512xf32, #tpu.memory_space<vmem>>, vector<16xf32>,
    tpu.vector_store %arg8[%swap3A_98], %scan3A_88#4 {strides = array<i32>} : memref<512xf32, #tpu.memory_space<vmem>>, vector<16xf32>,
    %swap3A_100 = arith.constant 336 : index
    %swap3A_101 = tpu.vector_load %arg8[%swap3A_100] {strides = array<i32>} : memref<512xf32, #tpu.memory_space<vmem>>, vector<16xf32>,
    tpu.vector_store %arg8[%swap3A_100], %scan3A_88#5 {strides = array<i32>} : memref<512xf32, #tpu.memory_space<vmem>>, vector<16xf32>,
    %swap3A_102 = arith.constant 352 : index
    %swap3A_103 = tpu.vector_load %arg8[%swap3A_102] {strides = array<i32>} : memref<512xf32, #tpu.memory_space<vmem>>, vector<16xf32>,
    tpu.vector_store %arg8[%swap3A_102], %scan3A_88#6 {strides = array<i32>} : memref<512xf32, #tpu.memory_space<vmem>>, vector<16xf32>,
    %swap3A_104 = arith.constant 368 : index
    %swap3A_105 = tpu.vector_load %arg8[%swap3A_104] {strides = array<i32>} : memref<512xf32, #tpu.memory_space<vmem>>, vector<16xf32>,
    tpu.vector_store %arg8[%swap3A_104], %scan3A_88#7 {strides = array<i32>} : memref<512xf32, #tpu.memory_space<vmem>>, vector<16xf32>,
    %dma_wait3A_106 = arith.constant 0 : i32
    %dma_wait3A_107 = tpu.memref_slice %arg2[%dma_wait3A_106, %add3A_73] : memref<128x16384xi32, #tpu.memory_space<hbm>> -> memref<128x128xi32, #tpu.memory_space<hbm>>
    %dma_wait3A_108 = arith.constant 0 : i32
    %dma_wait3A_109 = tpu.memref_slice %arg2[%dma_wait3A_108, %add3A_73] : memref<128x16384xi32, #tpu.memory_space<hbm>> -> memref<128x128xi32, #tpu.memory_space<hbm>>
    tpu.wait_dma2 semaphore(%arg10 : memref<!tpu.dma_semaphore, #tpu.memory_space<semaphore_mem>>) src(%dma_wait3A_109 : memref<128x128xi32, #tpu.memory_space<hbm>>) dst(%arg7 : memref<128x128xi32, #tpu.memory_space<vmem>>)
    %broadcast_in_dim3A_110 = arith.constant 0.000000e+00 : f32
    %broadcast_in_dim3A_111 = vector.broadcast %broadcast_in_dim3A_110 : f32 to vector<16xf32>
    %scan3A_112 = arith.constant 0 : i32
    %scan3A_113 = arith.constant 128 : i32
    %scan3A_114 = arith.addi %scan3A_112, %scan3A_113 : i32
    %scan3A_115 = arith.constant 1 : i32
    %scan3A_116:8 = scf.for %scan3A_134 = %scan3A_112 to %scan3A_114 step %scan3A_115 iter_args(%scan3A_135 = %broadcast_in_dim3A_111, %scan3A_136 = %broadcast_in_dim3A_111, %scan3A_137 = %broadcast_in_dim3A_111, %scan3A_138 = %broadcast_in_dim3A_111, %scan3A_139 = %broadcast_in_dim3A_111, %scan3A_140 = %broadcast_in_dim3A_111, %scan3A_141 = %broadcast_in_dim3A_111, %scan3A_142 = %broadcast_in_dim3A_111) -> (vector<16xf32>, vector<16xf32>, vector<16xf32>, vector<16xf32>, vector<16xf32>, vector<16xf32>, vector<16xf32>, vector<16xf32>)  : i32 {
      %get3A = arith.index_cast %scan3A_134 : i32 to index
      %get3A_143 = arith.constant 0 : index
      %get3A_144 = tpu.vector_load %arg7[%get3A, %get3A_143] {strides = array<i32>} : memref<128x128xi32, #tpu.memory_space<vmem>>, vector<16xi32>,
      %and3A = arith.constant 65535 : i32
      %and3A_145 = vector.broadcast %and3A : i32 to vector<16xi32>
      %and3A_146 = arith.andi %get3A_144, %and3A_145 : vector<16xi32>
      %shift_right_logical3A = arith.constant 16 : i32
      %shift_right_logical3A_147 = vector.broadcast %shift_right_logical3A : i32 to vector<16xi32>
      %shift_right_logical3A_148 = arith.shrui %get3A_144, %shift_right_logical3A_147 : vector<16xi32>
      %gather3A = tpu.vector_load_idx %arg5[%and3A_146] : memref<65536xf32, #tpu.memory_space<vmem>>[vector<16xi32>], vector<16xf32>,
      %add3A_149 = arith.addf %scan3A_135, %gather3A : vector<16xf32>
      %gather3A_150 = tpu.vector_load_idx %arg5[%shift_right_logical3A_148] : memref<65536xf32, #tpu.memory_space<vmem>>[vector<16xi32>], vector<16xf32>,
      %add3A_151 = arith.addf %add3A_149, %gather3A_150 : vector<16xf32>
      %get3A_152 = arith.index_cast %scan3A_134 : i32 to index
      %get3A_153 = arith.constant 16 : index
      %get3A_154 = tpu.vector_load %arg7[%get3A_152, %get3A_153] {strides = array<i32>} : memref<128x128xi32, #tpu.memory_space<vmem>>, vector<16xi32>,
      %and3A_155 = arith.constant 65535 : i32
      %and3A_156 = vector.broadcast %and3A_155 : i32 to vector<16xi32>
      %and3A_157 = arith.andi %get3A_154, %and3A_156 : vector<16xi32>
      %shift_right_logical3A_158 = arith.constant 16 : i32
      %shift_right_logical3A_159 = vector.broadcast %shift_right_logical3A_158 : i32 to vector<16xi32>
      %shift_right_logical3A_160 = arith.shrui %get3A_154, %shift_right_logical3A_159 : vector<16xi32>
      %gather3A_161 = tpu.vector_load_idx %arg5[%and3A_157] : memref<65536xf32, #tpu.memory_space<vmem>>[vector<16xi32>], vector<16xf32>,
      %add3A_162 = arith.addf %scan3A_136, %gather3A_161 : vector<16xf32>
      %gather3A_163 = tpu.vector_load_idx %arg5[%shift_right_logical3A_160] : memref<65536xf32, #tpu.memory_space<vmem>>[vector<16xi32>], vector<16xf32>,
      %add3A_164 = arith.addf %add3A_162, %gather3A_163 : vector<16xf32>
      %get3A_165 = arith.index_cast %scan3A_134 : i32 to index
      %get3A_166 = arith.constant 32 : index
      %get3A_167 = tpu.vector_load %arg7[%get3A_165, %get3A_166] {strides = array<i32>} : memref<128x128xi32, #tpu.memory_space<vmem>>, vector<16xi32>,
      %and3A_168 = arith.constant 65535 : i32
      %and3A_169 = vector.broadcast %and3A_168 : i32 to vector<16xi32>
      %and3A_170 = arith.andi %get3A_167, %and3A_169 : vector<16xi32>
      %shift_right_logical3A_171 = arith.constant 16 : i32
      %shift_right_logical3A_172 = vector.broadcast %shift_right_logical3A_171 : i32 to vector<16xi32>
      %shift_right_logical3A_173 = arith.shrui %get3A_167, %shift_right_logical3A_172 : vector<16xi32>
      %gather3A_174 = tpu.vector_load_idx %arg5[%and3A_170] : memref<65536xf32, #tpu.memory_space<vmem>>[vector<16xi32>], vector<16xf32>,
      %add3A_175 = arith.addf %scan3A_137, %gather3A_174 : vector<16xf32>
      %gather3A_176 = tpu.vector_load_idx %arg5[%shift_right_logical3A_173] : memref<65536xf32, #tpu.memory_space<vmem>>[vector<16xi32>], vector<16xf32>,
      %add3A_177 = arith.addf %add3A_175, %gather3A_176 : vector<16xf32>
      %get3A_178 = arith.index_cast %scan3A_134 : i32 to index
      %get3A_179 = arith.constant 48 : index
      %get3A_180 = tpu.vector_load %arg7[%get3A_178, %get3A_179] {strides = array<i32>} : memref<128x128xi32, #tpu.memory_space<vmem>>, vector<16xi32>,
      %and3A_181 = arith.constant 65535 : i32
      %and3A_182 = vector.broadcast %and3A_181 : i32 to vector<16xi32>
      %and3A_183 = arith.andi %get3A_180, %and3A_182 : vector<16xi32>
      %shift_right_logical3A_184 = arith.constant 16 : i32
      %shift_right_logical3A_185 = vector.broadcast %shift_right_logical3A_184 : i32 to vector<16xi32>
      %shift_right_logical3A_186 = arith.shrui %get3A_180, %shift_right_logical3A_185 : vector<16xi32>
      %gather3A_187 = tpu.vector_load_idx %arg5[%and3A_183] : memref<65536xf32, #tpu.memory_space<vmem>>[vector<16xi32>], vector<16xf32>,
      %add3A_188 = arith.addf %scan3A_138, %gather3A_187 : vector<16xf32>
      %gather3A_189 = tpu.vector_load_idx %arg5[%shift_right_logical3A_186] : memref<65536xf32, #tpu.memory_space<vmem>>[vector<16xi32>], vector<16xf32>,
      %add3A_190 = arith.addf %add3A_188, %gather3A_189 : vector<16xf32>
      %get3A_191 = arith.index_cast %scan3A_134 : i32 to index
      %get3A_192 = arith.constant 64 : index
      %get3A_193 = tpu.vector_load %arg7[%get3A_191, %get3A_192] {strides = array<i32>} : memref<128x128xi32, #tpu.memory_space<vmem>>, vector<16xi32>,
      %and3A_194 = arith.constant 65535 : i32
      %and3A_195 = vector.broadcast %and3A_194 : i32 to vector<16xi32>
      %and3A_196 = arith.andi %get3A_193, %and3A_195 : vector<16xi32>
      %shift_right_logical3A_197 = arith.constant 16 : i32
      %shift_right_logical3A_198 = vector.broadcast %shift_right_logical3A_197 : i32 to vector<16xi32>
      %shift_right_logical3A_199 = arith.shrui %get3A_193, %shift_right_logical3A_198 : vector<16xi32>
      %gather3A_200 = tpu.vector_load_idx %arg5[%and3A_196] : memref<65536xf32, #tpu.memory_space<vmem>>[vector<16xi32>], vector<16xf32>,
      %add3A_201 = arith.addf %scan3A_139, %gather3A_200 : vector<16xf32>
      %gather3A_202 = tpu.vector_load_idx %arg5[%shift_right_logical3A_199] : memref<65536xf32, #tpu.memory_space<vmem>>[vector<16xi32>], vector<16xf32>,
      %add3A_203 = arith.addf %add3A_201, %gather3A_202 : vector<16xf32>
      %get3A_204 = arith.index_cast %scan3A_134 : i32 to index
      %get3A_205 = arith.constant 80 : index
      %get3A_206 = tpu.vector_load %arg7[%get3A_204, %get3A_205] {strides = array<i32>} : memref<128x128xi32, #tpu.memory_space<vmem>>, vector<16xi32>,
      %and3A_207 = arith.constant 65535 : i32
      %and3A_208 = vector.broadcast %and3A_207 : i32 to vector<16xi32>
      %and3A_209 = arith.andi %get3A_206, %and3A_208 : vector<16xi32>
      %shift_right_logical3A_210 = arith.constant 16 : i32
      %shift_right_logical3A_211 = vector.broadcast %shift_right_logical3A_210 : i32 to vector<16xi32>
      %shift_right_logical3A_212 = arith.shrui %get3A_206, %shift_right_logical3A_211 : vector<16xi32>
      %gather3A_213 = tpu.vector_load_idx %arg5[%and3A_209] : memref<65536xf32, #tpu.memory_space<vmem>>[vector<16xi32>], vector<16xf32>,
      %add3A_214 = arith.addf %scan3A_140, %gather3A_213 : vector<16xf32>
      %gather3A_215 = tpu.vector_load_idx %arg5[%shift_right_logical3A_212] : memref<65536xf32, #tpu.memory_space<vmem>>[vector<16xi32>], vector<16xf32>,
      %add3A_216 = arith.addf %add3A_214, %gather3A_215 : vector<16xf32>
      %get3A_217 = arith.index_cast %scan3A_134 : i32 to index
      %get3A_218 = arith.constant 96 : index
      %get3A_219 = tpu.vector_load %arg7[%get3A_217, %get3A_218] {strides = array<i32>} : memref<128x128xi32, #tpu.memory_space<vmem>>, vector<16xi32>,
      %and3A_220 = arith.constant 65535 : i32
      %and3A_221 = vector.broadcast %and3A_220 : i32 to vector<16xi32>
      %and3A_222 = arith.andi %get3A_219, %and3A_221 : vector<16xi32>
      %shift_right_logical3A_223 = arith.constant 16 : i32
      %shift_right_logical3A_224 = vector.broadcast %shift_right_logical3A_223 : i32 to vector<16xi32>
      %shift_right_logical3A_225 = arith.shrui %get3A_219, %shift_right_logical3A_224 : vector<16xi32>
      %gather3A_226 = tpu.vector_load_idx %arg5[%and3A_222] : memref<65536xf32, #tpu.memory_space<vmem>>[vector<16xi32>], vector<16xf32>,
      %add3A_227 = arith.addf %scan3A_141, %gather3A_226 : vector<16xf32>
      %gather3A_228 = tpu.vector_load_idx %arg5[%shift_right_logical3A_225] : memref<65536xf32, #tpu.memory_space<vmem>>[vector<16xi32>], vector<16xf32>,
      %add3A_229 = arith.addf %add3A_227, %gather3A_228 : vector<16xf32>
      %get3A_230 = arith.index_cast %scan3A_134 : i32 to index
      %get3A_231 = arith.constant 112 : index
      %get3A_232 = tpu.vector_load %arg7[%get3A_230, %get3A_231] {strides = array<i32>} : memref<128x128xi32, #tpu.memory_space<vmem>>, vector<16xi32>,
      %and3A_233 = arith.constant 65535 : i32
      %and3A_234 = vector.broadcast %and3A_233 : i32 to vector<16xi32>
      %and3A_235 = arith.andi %get3A_232, %and3A_234 : vector<16xi32>
      %shift_right_logical3A_236 = arith.constant 16 : i32
      %shift_right_logical3A_237 = vector.broadcast %shift_right_logical3A_236 : i32 to vector<16xi32>
      %shift_right_logical3A_238 = arith.shrui %get3A_232, %shift_right_logical3A_237 : vector<16xi32>
      %gather3A_239 = tpu.vector_load_idx %arg5[%and3A_235] : memref<65536xf32, #tpu.memory_space<vmem>>[vector<16xi32>], vector<16xf32>,
      %add3A_240 = arith.addf %scan3A_142, %gather3A_239 : vector<16xf32>
      %gather3A_241 = tpu.vector_load_idx %arg5[%shift_right_logical3A_238] : memref<65536xf32, #tpu.memory_space<vmem>>[vector<16xi32>], vector<16xf32>,
      %add3A_242 = arith.addf %add3A_240, %gather3A_241 : vector<16xf32>
      scf.yield %add3A_151, %add3A_164, %add3A_177, %add3A_190, %add3A_203, %add3A_216, %add3A_229, %add3A_242 : vector<16xf32>, vector<16xf32>, vector<16xf32>, vector<16xf32>, vector<16xf32>, vector<16xf32>, vector<16xf32>, vector<16xf32>
    }
    %scan3A_117 = arith.constant 128 : i32
    %swap3A_118 = arith.constant 384 : index
    %swap3A_119 = tpu.vector_load %arg8[%swap3A_118] {strides = array<i32>} : memref<512xf32, #tpu.memory_space<vmem>>, vector<16xf32>,
    tpu.vector_store %arg8[%swap3A_118], %scan3A_116#0 {strides = array<i32>} : memref<512xf32, #tpu.memory_space<vmem>>, vector<16xf32>,
    %swap3A_120 = arith.constant 400 : index
    %swap3A_121 = tpu.vector_load %arg8[%swap3A_120] {strides = array<i32>} : memref<512xf32, #tpu.memory_space<vmem>>, vector<16xf32>,
    tpu.vector_store %arg8[%swap3A_120], %scan3A_116#1 {strides = array<i32>} : memref<512xf32, #tpu.memory_space<vmem>>, vector<16xf32>,
    %swap3A_122 = arith.constant 416 : index
    %swap3A_123 = tpu.vector_load %arg8[%swap3A_122] {strides = array<i32>} : memref<512xf32, #tpu.memory_space<vmem>>, vector<16xf32>,
    tpu.vector_store %arg8[%swap3A_122], %scan3A_116#2 {strides = array<i32>} : memref<512xf32, #tpu.memory_space<vmem>>, vector<16xf32>,
    %swap3A_124 = arith.constant 432 : index
    %swap3A_125 = tpu.vector_load %arg8[%swap3A_124] {strides = array<i32>} : memref<512xf32, #tpu.memory_space<vmem>>, vector<16xf32>,
    tpu.vector_store %arg8[%swap3A_124], %scan3A_116#3 {strides = array<i32>} : memref<512xf32, #tpu.memory_space<vmem>>, vector<16xf32>,
    %swap3A_126 = arith.constant 448 : index
    %swap3A_127 = tpu.vector_load %arg8[%swap3A_126] {strides = array<i32>} : memref<512xf32, #tpu.memory_space<vmem>>, vector<16xf32>,
    tpu.vector_store %arg8[%swap3A_126], %scan3A_116#4 {strides = array<i32>} : memref<512xf32, #tpu.memory_space<vmem>>, vector<16xf32>,
    %swap3A_128 = arith.constant 464 : index
    %swap3A_129 = tpu.vector_load %arg8[%swap3A_128] {strides = array<i32>} : memref<512xf32, #tpu.memory_space<vmem>>, vector<16xf32>,
    tpu.vector_store %arg8[%swap3A_128], %scan3A_116#5 {strides = array<i32>} : memref<512xf32, #tpu.memory_space<vmem>>, vector<16xf32>,
    %swap3A_130 = arith.constant 480 : index
    %swap3A_131 = tpu.vector_load %arg8[%swap3A_130] {strides = array<i32>} : memref<512xf32, #tpu.memory_space<vmem>>, vector<16xf32>,
    tpu.vector_store %arg8[%swap3A_130], %scan3A_116#6 {strides = array<i32>} : memref<512xf32, #tpu.memory_space<vmem>>, vector<16xf32>,
    %swap3A_132 = arith.constant 496 : index
    %swap3A_133 = tpu.vector_load %arg8[%swap3A_132] {strides = array<i32>} : memref<512xf32, #tpu.memory_space<vmem>>, vector<16xf32>,
    tpu.vector_store %arg8[%swap3A_132], %scan3A_116#7 {strides = array<i32>} : memref<512xf32, #tpu.memory_space<vmem>>, vector<16xf32>,
    "tpu.region"() ({
      %run_scoped3A = tpu.sem_alloc : memref<!tpu.dma_semaphore, #tpu.memory_space<semaphore_mem>>
      %dma_start3A_134 = tpu.memref_slice %arg4[%mul3A_2] : memref<16384xf32, #tpu.memory_space<hbm>> -> memref<512xf32, #tpu.memory_space<hbm>>
      %dma_start3A_135 = tpu.memref_slice %arg4[%mul3A_2] : memref<16384xf32, #tpu.memory_space<hbm>> -> memref<512xf32, #tpu.memory_space<hbm>>
      tpu.enqueue_dma source(%arg8 : memref<512xf32, #tpu.memory_space<vmem>>) target(%dma_start3A_135 : memref<512xf32, #tpu.memory_space<hbm>>) target_semaphore(%run_scoped3A : memref<!tpu.dma_semaphore, #tpu.memory_space<semaphore_mem>>)
      %dma_wait3A_136 = tpu.memref_slice %arg4[%mul3A_2] : memref<16384xf32, #tpu.memory_space<hbm>> -> memref<512xf32, #tpu.memory_space<hbm>>
      %dma_wait3A_137 = tpu.memref_slice %arg4[%mul3A_2] : memref<16384xf32, #tpu.memory_space<hbm>> -> memref<512xf32, #tpu.memory_space<hbm>>
      tpu.wait_dma2 semaphore(%run_scoped3A : memref<!tpu.dma_semaphore, #tpu.memory_space<semaphore_mem>>) src(%arg8 : memref<512xf32, #tpu.memory_space<vmem>>) dst(%dma_wait3A_137 : memref<512xf32, #tpu.memory_space<hbm>>)
      tpu.yield
    }) : () -> ()
    return
  }
}

module attributes {stable_mosaic.version = 14 : i64} {
  func.func @_pack_body(%arg0: i32, %arg1: memref<1024x2048xi32, #tpu.memory_space<vmem>>, %arg2: memref<256x2048xbf16, #tpu.memory_space<vmem>>, %arg3: memref<128x1024xi32, #tpu.memory_space<vmem>>) attributes {dimension_semantics = [#tpu.dimension_semantics<arbitrary>], iteration_bounds = array<i64: 16>, scalar_prefetch = 0 : i64, scratch_operands = 0 : i64, tpu.core_type = #tpu.core_type<tc>, window_params = [{transform_indices = @transform_0, window_bounds = array<i64: 1024, 2048>}, {pipeline_mode = #tpu.pipeline_mode<synchronous>, transform_indices = @transform_1, window_bounds = array<i64: 256, 2048>}, {transform_indices = @transform_2, window_bounds = array<i64: 128, 1024>}]} {
    %get3A = arith.constant 0 : index
    %get3A_0 = arith.constant 0 : index
    %get3A_1 = vector.load %arg1[%get3A, %get3A_0] : memref<1024x2048xi32, #tpu.memory_space<vmem>>, vector<1024x2048xi32>
    %convert_element_type3A = arith.sitofp %get3A_1 : vector<1024x2048xi32> to vector<1024x2048xbf16>
    %get3A_2 = arith.constant 0 : index
    %get3A_3 = arith.constant 0 : index
    %get3A_4 = vector.load %arg2[%get3A_2, %get3A_3] : memref<256x2048xbf16, #tpu.memory_space<vmem>>, vector<256x2048xbf16>
    %dot_general3A = arith.constant dense<0.000000e+00> : vector<256x1024xf32>
    %dot_general3A_5 = tpu.matmul %get3A_4, %convert_element_type3A, %dot_general3A {dimension_numbers = #tpu.dot_dimension_numbers<[1], [1], [0], [0], [0, 0, 1, 0], [], []>, transpose_lhs_hint = false} : vector<256x2048xbf16>, vector<1024x2048xbf16>, vector<256x1024xf32> -> vector<256x1024xf32>
    %convert_element_type3A_6 = arith.fptosi %dot_general3A_5 : vector<256x1024xf32> to vector<256x1024xi32>
    %iota3A = tpu.iota {dimensions = array<i32: 0>} : vector<128x1024xi32>
    %mul3A = arith.constant 512 : i32
    %mul3A_7 = vector.broadcast %mul3A : i32 to vector<128x1024xi32>
    %mul3A_8 = arith.muli %iota3A, %mul3A_7 : vector<128x1024xi32>
    %slice3A = vector.extract_strided_slice %convert_element_type3A_6 {offsets = [0, 0], sizes = [128, 1024], strides = [1, 1]} : vector<256x1024xi32> to vector<128x1024xi32>
    %add3A = arith.addi %slice3A, %mul3A_8 : vector<128x1024xi32>
    %slice3A_9 = vector.extract_strided_slice %convert_element_type3A_6 {offsets = [128, 0], sizes = [128, 1024], strides = [1, 1]} : vector<256x1024xi32> to vector<128x1024xi32>
    %add3A_10 = arith.constant 256 : i32
    %add3A_11 = vector.broadcast %add3A_10 : i32 to vector<128x1024xi32>
    %add3A_12 = arith.addi %mul3A_8, %add3A_11 : vector<128x1024xi32>
    %add3A_13 = arith.addi %slice3A_9, %add3A_12 : vector<128x1024xi32>
    %shift_left3A = arith.constant 16 : i32
    %shift_left3A_14 = vector.broadcast %shift_left3A : i32 to vector<128x1024xi32>
    %shift_left3A_15 = arith.shli %add3A_13, %shift_left3A_14 : vector<128x1024xi32>
    %or3A = arith.ori %add3A, %shift_left3A_15 : vector<128x1024xi32>
    %swap3A = arith.constant 0 : index
    %swap3A_16 = arith.constant 0 : index
    %swap3A_17 = vector.load %arg3[%swap3A, %swap3A_16] : memref<128x1024xi32, #tpu.memory_space<vmem>>, vector<128x1024xi32>
    tpu.vector_store %arg3[%swap3A, %swap3A_16], %or3A {strides = array<i32>} : memref<128x1024xi32, #tpu.memory_space<vmem>>, vector<128x1024xi32>,
    return
  }
  func.func @transform_0(%arg0: i32) -> (i32, i32) {
    %add3A = arith.constant 0 : i32
    %add3A_0 = arith.addi %add3A, %arg0 : i32
    %c0_i32 = arith.constant 0 : i32
    %c0_i32_1 = arith.constant 0 : i32
    return %add3A_0, %c0_i32 : i32, i32
  }
  func.func @transform_1(%arg0: i32) -> (i32, i32) {
    %c0_i32 = arith.constant 0 : i32
    %c0_i32_0 = arith.constant 0 : i32
    %c0_i32_1 = arith.constant 0 : i32
    return %c0_i32, %c0_i32_0 : i32, i32
  }
  func.func @transform_2(%arg0: i32) -> (i32, i32) {
    %c0_i32 = arith.constant 0 : i32
    %c0_i32_0 = arith.constant 0 : i32
    return %c0_i32, %arg0 : i32, i32
  }
}

</mosaic_0001>

<sc_bundles>
// kernel: kernel.4.cloned.1.call-start
scs
__scs_entry_jumppad:
0x0: {  	(pc) =	sbr.rel $0x88, $3  }
0x1: {  	(tag) =	ssettag $0x0;
	lr =	simm.s32 $0x1  }
0x2: {  	[smem:$0x3F9F] =	sst lr;
	_ =	strace $0xD0000000  }
0x3: {  	_ = 	snop  }
0x4: {  	_ = 	snop  }
0x5: {  	_ = 	snop  }
0x6: {  	_ = 	snop  }
0x7: {  	_ = 	snop  }
__scs_overlays_trampoline_lowered:
0x8: {  	[smem:$0x3FAE] =	sst s0  }
0x9: {  	[smem:$0x3FAF] =	sst s1  }
0xa: {  	[smem:$0x3FB0] =	sst s2  }
0xb: {  	[smem:$0x3FB1] =	sst s3  }
0xc: {  	[smem:$0x3FB2] =	sst s4  }
0xd: {  	[smem:$0x3FB3] =	sst s5  }
0xe: {  	[smem:$0x3FB4] =	sst s6  }
0xf: {  	[smem:$0x3FB5] =	sst s7  }
0x10: {  	[smem:$0x3FB6] =	sst s8  }
0x11: {  	[smem:$0x3FB7] =	sst s9;
	s0 =	simm.s32 @!p0 $0x0  }
0x12: {  	s1 =	sld [smem:$0x3F9D];
	s0 =	simm.s32 @p0 $0x1  }
0x13: {  	[smem:$0x3FB8] =	sst s0;
	s0 =	simm.s32 @!p1 $0x0  }
0x14: {  	s2 =	sld [smem:$0x3F9C];
	s0 =	simm.s32 @p1 $0x1  }
0x15: {  	[smem:$0x3FB9] =	sst s0;
	s0 =	simm.s32 @!p2 $0x0  }
0x16: {  	s3 =	sld [smem:$0x3FDB];
	s0 =	simm.s32 @p2 $0x1  }
0x17: {  	s4 =	simm.s32 $0x1BF5;
	[smem:$0x3FBB] =	sst s0  }
0x18: {  	s0 =	sld [smem:$0x3F9E];
	_ =	swait.ge [sflag:s4], $0x0  }
0x19: {  	s7 =	sld [smem:$0x3F9F]  }
0x1a: {  	s8 =	sadd.s32 $0xFFFFE003, lr  }
0x1b: {  	s9 =	sadd.s32 $0xFFFFFEF7, lr;
	s5 =	simm.s32 $0xFFFFFFFF;
	p2 =	slt.u32 s8, $0xFFFFF086  }
0x1c: {  	p1 =	slt.u32 s9, $0xF7A;
	s5 =	simm.s32 @!p2 $0x0  }
0x1d: {  	s5 =	simm.s32 @p1 $0x1;
	p0 =	seq.s32 s7, s2  }
0x1e: {  	s7 =	smul.u32 @!p0 $0xF7A, s2;
	p2 =	seq.s32 @!p0 s5, $0x0  }
0x1f: {  	s9 =	smul.u32 $0xF7A, s1;
	s8 =	simm.s32 @!p0 $0x1BF5;
	p2 =	por !p2, p0  }
0x20: {  	[sflag:s8] =	ssyncset.s32 @!p0 $0xFFFFF086;
	s6 =	sadd.s32 @!p0 s3, s7;
	s7 =	simm.s32 @!p0 $0x108  }
0x21: {  	s3 =	sadd.s32 s3, s9;
	s6 =	sadd.s32 @!p0 $0x88, s6;
	s7 =	simm.s32 @p2 $0x1082  }
0x22: {  	[simem:s7], [sflag:s8] =	dma.local @!p0 [hbm:s6], $0xF7A  }
0x23: {  	s9 =	sor.u32 $0xD0000000, s2;
	s6 =	simm.s32 $0x108;
	_ =	swait.ge @!p0 [sflag:s8], $0x0  }
0x24: {  	s3 =	sadd.s32 $0x88, s3;
	s6 =	simm.s32 @!p1 $0x1082;
	[sflag:s4] =	ssyncset.s32 $0xFFFFF086  }
0x25: {  	[simem:s6], [sflag:s4] =	dma.local [hbm:s3], $0xF7A  }
0x26: {  	[smem:$0x3F9F] =	sst s1;
	(tag) =	ssettag s2;
	_ =	strace s9  }
0x27: {  	s1 =	sld [smem:$0x3FAF]  }
0x28: {  	s2 =	sld [smem:$0x3FB0]  }
0x29: {  	s4 =	sld [smem:$0x3FB2]  }
0x2a: {  	p0 =	seq.s32 s5, $0x0;
	s5 =	sld [smem:$0x3FB3]  }
0x2b: {  	s6 =	sld [smem:$0x3FB4]  }
0x2c: {  	s7 =	sld [smem:$0x3FB5]  }
0x2d: {  	s3 =	simm.s32 $0x108;
	s8 =	sld [smem:$0x3FB6]  }
0x2e: {  	s3 =	simm.s32 @!p0 $0x1082;
	s9 =	sld [smem:$0x3FB7]  }
0x2f: {  	lr =	sadd.s32 s0, s3;
	s0 =	sld [smem:$0x3FAE]  }
0x30: {  	s3 =	sld [smem:$0x3FB1]  }
0x31: {  	[smem:$0x3FBA] =	sst s10  }
0x32: {  	s10 =	sld [smem:$0x3FB8];
	_ =	sdelay $0x3  }
0x33: {  	p0 =	seq.s32 s10, $0x1;
	s10 =	sld [smem:$0x3FBA];
	_ =	sdelay $0x3  }
0x34: {  	[smem:$0x3FBA] =	sst s10  }
0x35: {  	s10 =	sld [smem:$0x3FB9];
	_ =	sdelay $0x3  }
0x36: {  	p1 =	seq.s32 s10, $0x1;
	s10 =	sld [smem:$0x3FBA];
	_ =	sdelay $0x3  }
0x37: {  	[smem:$0x3FBA] =	sst s10  }
0x38: {  	s10 =	sld [smem:$0x3FBB]  }
0x39: {  	_ = 	snop;
	(pc) =	sbr.ind lr, $3  }
0x3a: {  	_ = 	snop  }
0x3b: {  	_ = 	snop  }
0x3c: {  	p2 =	seq.s32 s10, $0x1;
	s10 =	sld [smem:$0x3FBA]  }
0x3d: {  	_ =	shalt  }
0x3e: {  	_ =	shalt  }
0x3f: {  	_ =	shalt  }
0x40: {  	_ =	shalt  }
0x41: {  	_ =	shalt  }
0x42: {  	_ =	shalt  }
0x43: {  	_ =	shalt  }
0x44: {  	_ =	shalt  }
0x45: {  	_ =	shalt  }
0x46: {  	_ =	shalt  }
0x47: {  	_ =	shalt  }
0x48: {  	_ =	shalt  }
0x49: {  	_ =	shalt  }
0x4a: {  	_ =	shalt  }
0x4b: {  	_ =	shalt  }
0x4c: {  	_ =	shalt  }
0x4d: {  	_ =	shalt  }
0x4e: {  	_ =	shalt  }
0x4f: {  	_ =	shalt  }
0x50: {  	_ =	shalt  }
0x51: {  	_ =	shalt  }
0x52: {  	_ =	shalt  }
0x53: {  	_ =	shalt  }
0x54: {  	_ =	shalt  }
0x55: {  	_ =	shalt  }
0x56: {  	_ =	shalt  }
0x57: {  	_ =	shalt  }
0x58: {  	_ =	shalt  }
0x59: {  	_ =	shalt  }
0x5a: {  	_ =	shalt  }
0x5b: {  	_ =	shalt  }
0x5c: {  	_ =	shalt  }
0x5d: {  	_ =	shalt  }
0x5e: {  	_ =	shalt  }
0x5f: {  	_ =	shalt  }
0x60: {  	_ =	shalt  }
0x61: {  	_ =	shalt  }
0x62: {  	_ =	shalt  }
0x63: {  	_ =	shalt  }
0x64: {  	_ =	shalt  }
0x65: {  	_ =	shalt  }
0x66: {  	_ =	shalt  }
0x67: {  	_ =	shalt  }
0x68: {  	_ =	shalt  }
0x69: {  	_ =	shalt  }
0x6a: {  	_ =	shalt  }
0x6b: {  	_ =	shalt  }
0x6c: {  	_ =	shalt  }
0x6d: {  	_ =	shalt  }
0x6e: {  	_ =	shalt  }
0x6f: {  	_ =	shalt  }
0x70: {  	_ =	shalt  }
0x71: {  	_ =	shalt  }
0x72: {  	_ =	shalt  }
0x73: {  	_ =	shalt  }
0x74: {  	_ =	shalt  }
0x75: {  	_ =	shalt  }
0x76: {  	_ =	shalt  }
0x77: {  	_ =	shalt  }
0x78: {  	_ =	shalt  }
0x79: {  	_ =	shalt  }
0x7a: {  	_ =	shalt  }
0x7b: {  	_ =	shalt  }
0x7c: {  	_ =	shalt  }
0x7d: {  	_ =	shalt  }
0x7e: {  	_ =	shalt  }
0x7f: {  	_ =	shalt  }
0x80: {  	_ =	shalt  }
0x81: {  	_ =	shalt  }
0x82: {  	_ =	shalt  }
0x83: {  	_ =	shalt  }
0x84: {  	_ =	shalt  }
0x85: {  	_ =	shalt  }
0x86: {  	_ =	shalt  }
0x87: {  	_ =	shalt  }
.Lfunc_end0:
.L_simem_size_0:
called_computation_lowered:
.L_overlay_start_0:
0x88: {  	s2 =	sld [smem:$0x3FD9]  }
0x89: {  	s3 =	sld [smem:$0x3FFE];
	_ =	sdelay $0x1  }
0x8a: {  	s1 =	srdreg.scid  }
0x8b: {  	s0 =	sand.u32 $0x1, s1  }
0x8c: {  	s17 =	sshll.u32 s0, $0xA;
	s2 =	sadd.s32 s3, s2  }
0x8d: {  	s2 =	sadd.s32 s2, s17  }
0x8e: {  	[smem:$0x3FC6] =	sst s2  }
0x8f: {  	_ = 	snop  }
0x90: {  	s2 =	sld [smem:$0x3FD0];
	(tm) =	ssettm $0x1  }
0x91: {  	s18 =	sld [smem:$0x3FFB];
	_ =	sdelay $0x3  }
0x92: {  	_ =	strace s18  }
0x93: {  	s3 =	sld [smem:$0x3FFC];
	_ =	sdelay $0x3  }
0x94: {  	_ =	strace s3  }
0x95: {  	s3 =	sld [smem:$0x3FFD];
	_ =	sdelay $0x3  }
0x96: {  	_ =	strace s3  }
0x97: {  	_ =	strace $0x8FFFFFFF  }
0x98: {  	s19 =	sld [smem:$0x3FDB];
	_ =	sdelay $0x1  }
0x99: {  	s4 =	simm.s32 $_scs_section_size  }
0x9a: {  	s5 =	simm.s32 $_size__tile_overlayer_lowered;
	s6 =	simm.s32 $_tile_overlayer_lowered  }
0x9b: {  	s22 =	simm.s32 $0x1BFF;
	s21 =	sshll.u32 s6, $0x1;
	s3 =	sadd.s32 s4, s19  }
0x9c: {  	s7 =	simm.s32 $0x0;
	s20 =	sshll.u32 s5, $0x1;
	s5 =	sadd.s32 s21, s3  }
0x9d: {  	[timem:s7], [sflag:s22] =	dma.local [hbm:s5], s20  }
0x9e: {  	_ =	swait.ge [sflag:s22], s20  }
0x9f: {  	s4 =	ssub.s32 $0x0, s20;
	[sflag:s22] =	ssyncset.done $0x0  }
0xa0: {  	[sflag:s22] =	ssyncadd.s32 s4;
	_ =	sdelay $0x1  }
0xa1: {  	s23 =	simm.s32 $0x1B8B  }
0xa2: {  	_ =	swait.ge [sflag:s23], $0x1  }
0xa3: {  	[sflag:s23] =	ssyncset.done $0x0  }
0xa4: {  	s25 =	simm.s32 $0x1B8E;
	s24 =	sld [smem:$0x3FFE];
	[sflag:s23] =	ssyncadd.s32 $0xFFFFFFFF  }
0xa5: {  	s26 =	simm.s32 $execute0_lowered;
	[smem:$0x3FD2] =	sst s25  }
0xa6: {  	s5 =	sshll.u32 s26, $0x1;
	_ =	strace $0x80000046;
	[dreg:$0x1] =	wrdreg $0xFFFFFFFF  }
0xa7: {  	s28 =	simm.s32 $_size_execute0_lowered;
	s3 =	sadd.s32 s3, s5;
	[dreg:$0x0] =	wrdreg $0x0  }
0xa8: {  	s5 =	sshll.u32 s28, $0x1;
	[dreg:$0x2] =	wrdreg s3  }
0xa9: {  	[dreg:$0x3] =	wrdreg s5  }
0xaa: {  	[dreg:$0x4] =	wrdreg $0xC0  }
0xab: {  	_ =	task [dreg:s7], $0x5FFFF  }
0xac: {  	[dreg:$0x1] =	wrdreg $0xFFFFFFFF  }
0xad: {  	[dreg:$0x0] =	wrdreg $0x60  }
0xae: {  	[dreg:$0x2] =	wrdreg s24  }
0xaf: {  	[dreg:$0x3] =	wrdreg s2  }
0xb0: {  	[dreg:$0x4] =	wrdreg $0x9  }
0xb1: {  	_ =	task.clear_ibuf [dreg:s7], $0x5FFFF;
	_ =	strace $0x90000046  }
0xb2: {  	s29 =	simm.s32 $0x9;
	_ =	strace $0x80000048  }
0xb3: {  	_ =	swait.ge [sflag:s29], $0x1  }
0xb4: {  	[sflag:s29] =	ssyncadd.s32 $0xFFFFFFFF  }
0xb5: {  	_ =	strace $0x90000048  }
0xb6: {  	_ =	sfence  }
0xb7: {  	s30 =	sld [smem:$0x0];
	_ =	sdelay $0x2  }
0xb8: {  	s31 =	sshll.u32 s1, $0xD;
	s1 =	sshrl.u32 s1, $0x2  }
0xb9: {  	s3 =	sand.u32 $0x4000, s31;
	s1 =	sadd.s32 s1, s30  }
0xba: {  	s0 =	sor.u32 s3, s0;
	s1 =	sshll.u32 s1, $0x11  }
0xbb: {  	s0 =	sor.u32 s1, s0  }
0xbc: {  	s0 =	sadd.s32 $0x8F2B, s0  }
0xbd: {  	[sflag:s0] =	ssyncadd.remote.s32 $0x1  }
0xbe: {  	_ =	sfence.sel $0xFFFF  }
0xbf: {  	[dreg:$0x0] =	wrdreg $0xFFFFFFFF;
	(pc) =	sbr.abs _section_cstart, $3  }
0xc0: {  	[dreg:$0x1] =	wrdreg $0xFFFFFFFF  }
0xc1: {  	_ =	task.clear_ibuf [dreg:s7], $0x2FFFF;
	_ =	strace $0x9FFFFFFF  }
0xc2: {  	(tm) =	ssettm $0x7FFFFFFF  }
0xc3: {  	_ =	shalt  }
tec
execute0_lowered:
.L_overlay_start_1:
0x0: {  	(tag) =	ssettag $0x1  }
0x1: {  	s3 =	rddreg [dreg:$0x0]  }
0x2: {  	s8 =	rddreg [dreg:$0x1];
	s2 =	srdreg.scid  }
0x3: {  	s0 =	rddreg [dreg:$0x2];
	s1 =	stileid.u32;
	s12 =	simm.s32 $0x10000  }
0x4: {  	s13 =	simm.s32 $0x14000;
	s14 =	simm.s32 $0x3;
	s15 =	simm.s32 $0x1  }
0x5: {  	s16 =	simm.s32 $0x2;
	s17 =	simm.s32 $0x18000;
	s18 =	simm.s32 $0x0  }
0x6: {  	s4 =	sand.u32 $0x1, s2;
	s2 =	simm.s32 $0x0;
	s5 =	sshll.u32 s1, $0xA  }
0x7: {  	s6 =	sshll.u32 s4, $0x9;
	[smem:$0x7FF] =	sst s2;
	s4 =	ssub.s32 $0x2, s4  }
0x8: {  	s7 =	sor.u32 s6, s5;
	_ =	strace $0x80000047;
	s31 =	sshrl.u32 s4, $0x1  }
0x9: {  	s9 =	sadd.s32 s7, s3;
	s3 =	sadd.s32 $0x600, s3;
	s10 =	ssub.s32 s4, s31  }
0xa: {  	s11 =	sshrl.u32 s7, $0x3;
	s4 =	sadd.s32 $0x2600, s9;
	s5 =	sadd.s32 $0x2680, s9  }
0xb: {  	s6 =	sadd.s32 $0x2700, s9;
	s7 =	sadd.s32 $0x2780, s9;
	s8 =	sadd.s32 s8, s11  }
0xc: {  	s9 =	smax.u32 s10, $0x1;
	s10 =	simm.s32 $0x400;
	s11 =	simm.s32 $0x20000  }
.LBB2_1:
0xd: {  	[tilespmem:s12], [sflag:$0x1] =	stream.strided.gather [hbm4b:s4+s10], $0x4000, s11, s10, $0x38;
	[tilespmem:$0x18200] =	vst v63  }
0xe: {  	_ = 	snop  }
0xf: {  	[tilespmem:s13], [sflag:$0x2] =	stream.strided.gather [hbm4b:s5+s10], $0x4000, s11, s10, $0x38;
	[tilespmem:$0x18200] =	vst v63  }
0x10: {  	_ = 	snop  }
0x11: {  	[tilespmem:s2], [sflag:$0x3] =	stream.linear.gather [hbm4b:s3+s2], $0x10000, $0x38;
	[tilespmem:$0x18200] =	vst v63  }
0x12: {  	_ =	swait.ge [sflag:s14], $0x10000  }
0x13: {  	[sflag:s14] =	ssyncset.done $0x0  }
0x14: {  	[sflag:s14] =	ssyncadd.s32 $0xFFFF0000  }
0x15: {  	_ =	swait.ge [sflag:s15], $0x4000  }
0x16: {  	[sflag:s15] =	ssyncset.done $0x0  }
0x17: {  	s20 =	simm.s32 $0x0;
	[sflag:s15] =	ssyncadd.s32 $0xFFFFC000  }
0x18: {  	v0 =	vld [tilespmem:s20+$0x10000]  }
0x19: {  	v1 =	vld [tilespmem:s20+$0x10050]  }
0x1a: {  	v2 =	vld [tilespmem:s20+$0x10070]  }
0x1b: {  	v3 =	vld [tilespmem:s20+$0x10030]  }
0x1c: {  	v4 =	vld [tilespmem:s20+$0x10010]  }
0x1d: {  	v7 =	vld [tilespmem:s20+$0x10040]  }
0x1e: {  	v8 =	vld [tilespmem:s20+$0x10020]  }
0x1f: {  	s19 =	simm.s32 $0x80;
	v12 =	vld [tilespmem:s20+$0x10060];
	v5 =	vand.u32 $0xFFFF, v0  }
0x20: {  	v13 =	vld [tilespmem:s19+$0x10000];
	v6 =	vshrl.u32 v1, $0x10  }
0x21: {  	v20 =	vld [tilespmem:s19+$0x10050];
	v9 =	vand.u32 $0xFFFF, v2  }
0x22: {  	v14 =	vld [tilespmem:s19+$0x10070];
	v10 =	vshrl.u32 v3, $0x10  }
0x23: {  	v2 =	vshrl.u32 v2, $0x10;
	v19 =	vshrl.u32 v8, $0x10;
	v21 =	vand.u32 $0xFFFF, v8;
	v8 =	vld [tilespmem:s19+$0x10040]  }
0x24: {  	v11 =	vand.u32 $0xFFFF, v4;
	v15 =	vld.idx.msk [tilespmem:v5+s2+$0x0], $0xffff  }
0x25: {  	v1 =	vand.u32 $0xFFFF, v1;
	v5 =	vld.idx.msk [tilespmem:v6+s2+$0x0], $0xffff  }
0x26: {  	v3 =	vand.u32 $0xFFFF, v3;
	v9 =	vld.idx.msk [tilespmem:v9+s2+$0x0], $0xffff  }
0x27: {  	v4 =	vshrl.u32 v4, $0x10;
	v10 =	vld.idx.msk [tilespmem:v10+s2+$0x0], $0xffff  }
0x28: {  	v16 =	vld.idx.msk [tilespmem:v2+s2+$0x0], $0xffff  }
0x29: {  	v0 =	vshrl.u32 v0, $0x10;
	v17 =	vld.idx.msk [tilespmem:v11+s2+$0x0], $0xffff  }
0x2a: {  	v2 =	vshrl.u32 v7, $0x10;
	v1 =	vld.idx.msk [tilespmem:v1+s2+$0x0], $0xffff  }
0x2b: {  	v18 =	vld.idx.msk [tilespmem:v3+s2+$0x0], $0xffff;
	v6 =	vshrl.u32 v12, $0x10  }
0x2c: {  	v4 =	vld.idx.msk [tilespmem:v4+s2+$0x0], $0xffff  }
0x2d: {  	v11 =	vld [tilespmem:s19+$0x10030]  }
0x2e: {  	v23 =	vld.idx.msk [tilespmem:v0+s2+$0x0], $0xffff  }
0x2f: {  	v3 =	vimm.f32 $0.0e+00;
	v7 =	vand.u32 $0xFFFF, v7;
	v2 =	vld.idx.msk [tilespmem:v2+s2+$0x0], $0xffff  }
0x30: {  	v6 =	vld.idx.msk [tilespmem:v6+s2+$0x0], $0xffff;
	v0 =	vadd.f32 v9, v3  }
0x31: {  	v1 =	vadd.f32 v1, v3;
	v9 =	vand.u32 $0xFFFF, v12;
	v12 =	vld.idx.msk [tilespmem:v19+s2+$0x0], $0xffff;
	v18 =	vadd.f32 v18, v3  }
0x32: {  	v19 =	vld [tilespmem:s19+$0x10010];
	v0 =	vadd.f32 v16, v0;
	v16 =	vadd.f32 v17, v3  }
0x33: {  	v22 =	vand.u32 $0xFFFF, v13;
	v15 =	vadd.f32 v15, v3;
	v1 =	vadd.f32 v5, v1;
	v17 =	vld.idx.msk [tilespmem:v21+s2+$0x0], $0xffff  }
0x34: {  	v13 =	vshrl.u32 v13, $0x10;
	v5 =	vadd.f32 v4, v16;
	v4 =	vadd.f32 v10, v18;
	v18 =	vld.idx.msk [tilespmem:v7+s2+$0x0], $0xffff  }
0x35: {  	v21 =	vshrl.u32 v20, $0x10;
	v20 =	vand.u32 $0xFFFF, v20;
	v7 =	vadd.f32 v23, v15;
	v15 =	vld [tilespmem:s19+$0x10020]  }
0x36: {  	s20 =	simm.s32 $0x400;
	v23 =	vand.u32 $0xFFFF, v14;
	v10 =	vimm.f32 $0.0e+00;
	v16 =	vld.idx.msk [tilespmem:v9+s2+$0x0], $0xffff;
	v9 =	vimm.f32 $0.0e+00  }
.LBB2_2:
0x37: {  	p0 =	sne.s32 s20, $0xFE00;
	v24 =	vshrl.u32 v11, $0x10;
	v25 =	vld [tilespmem:s19+$0x10060];
	s19 =	sshra.s32 s20, $0x2;
	s20 =	sadd.s32 $0x200, s20;
	v14 =	vshrl.u32 v14, $0x10  }
0x38: {  	v27 =	vand.u32 $0xFFFF, v19;
	v26 =	vld [tilespmem:s19+$0x10000]  }
0x39: {  	v28 =	vshrl.u32 v8, $0x10;
	v3 =	vadd.f32 v17, v3;
	v22 =	vld.idx.msk [tilespmem:v22+s2+$0x0], $0xffff  }
0x3a: {  	v11 =	vand.u32 $0xFFFF, v11;
	v17 =	vshrl.u32 v19, $0x10;
	v10 =	vadd.f32 v18, v10;
	v19 =	vld.idx.msk [tilespmem:v21+s2+$0x0], $0xffff  }
0x3b: {  	v3 =	vadd.f32 v12, v3;
	v9 =	vadd.f32 v16, v9;
	v18 =	vld.idx.msk [tilespmem:v23+s2+$0x0], $0xffff  }
0x3c: {  	v16 =	vand.u32 $0xFFFF, v15;
	v10 =	vadd.f32 v2, v10;
	v12 =	vld.idx.msk [tilespmem:v24+s2+$0x0], $0xffff  }
0x3d: {  	v9 =	vadd.f32 v6, v9;
	v14 =	vld.idx.msk [tilespmem:v14+s2+$0x0], $0xffff  }
0x3e: {  	v6 =	vld.idx.msk [tilespmem:v27+s2+$0x0], $0xffff  }
0x3f: {  	v20 =	vld.idx.msk [tilespmem:v20+s2+$0x0], $0xffff  }
0x40: {  	v23 =	vshrl.u32 v25, $0x10;
	v21 =	vld.idx.msk [tilespmem:v11+s2+$0x0], $0xffff  }
0x41: {  	v27 =	vand.u32 $0xFFFF, v8;
	v0 =	vadd.f32 v18, v0;
	v24 =	vld [tilespmem:s19+$0x10050]  }
0x42: {  	v17 =	vld.idx.msk [tilespmem:v17+s2+$0x0], $0xffff  }
0x43: {  	v0 =	vadd.f32 v14, v0;
	v2 =	vld.idx.msk [tilespmem:v28+s2+$0x0], $0xffff  }
0x44: {  	v15 =	vshrl.u32 v15, $0x10;
	v11 =	vld [tilespmem:s19+$0x10030]  }
0x45: {  	v1 =	vadd.f32 v20, v1;
	v13 =	vld.idx.msk [tilespmem:v13+s2+$0x0], $0xffff  }
0x46: {  	v5 =	vadd.f32 v6, v5;
	v4 =	vadd.f32 v21, v4;
	v6 =	vld.idx.msk [tilespmem:v23+s2+$0x0], $0xffff  }
0x47: {  	v20 =	vand.u32 $0xFFFF, v25;
	v1 =	vadd.f32 v19, v1;
	v8 =	vld [tilespmem:s19+$0x10040]  }
0x48: {  	v5 =	vadd.f32 v17, v5;
	v4 =	vadd.f32 v12, v4;
	v14 =	vld [tilespmem:s19+$0x10070]  }
0x49: {  	v7 =	vadd.f32 v22, v7;
	v12 =	vld.idx.msk [tilespmem:v15+s2+$0x0], $0xffff  }
.Ltmp0:
0x4a: {  	v19 =	vld [tilespmem:s19+$0x10010];
	(pc) =	sbr.rel @p0 .LBB2_2-.Ltmp0, $4  }
0x4b: {  	v22 =	vand.u32 $0xFFFF, v26;
	v17 =	vld.idx.msk [tilespmem:v16+s2+$0x0], $0xffff  }
0x4c: {  	v21 =	vshrl.u32 v24, $0x10;
	v7 =	vadd.f32 v13, v7;
	v18 =	vld.idx.msk [tilespmem:v27+s2+$0x0], $0xffff  }
0x4d: {  	v13 =	vshrl.u32 v26, $0x10;
	v16 =	vld.idx.msk [tilespmem:v20+s2+$0x0], $0xffff  }
0x4e: {  	v20 =	vand.u32 $0xFFFF, v24;
	v23 =	vand.u32 $0xFFFF, v14;
	v15 =	vld [tilespmem:s19+$0x10020]  }
0x4f: {  	_ =	sdelay $0x2  }
0x50: {  	v25 =	vld [tilespmem:s19+$0x10060]  }
0x51: {  	v24 =	vshrl.u32 v11, $0x10;
	v22 =	vld.idx.msk [tilespmem:v22+s2+$0x0], $0xffff  }
0x52: {  	v26 =	vand.u32 $0xFFFF, v19;
	v21 =	vld.idx.msk [tilespmem:v21+s2+$0x0], $0xffff  }
0x53: {  	v11 =	vand.u32 $0xFFFF, v11;
	v23 =	vld.idx.msk [tilespmem:v23+s2+$0x0], $0xffff  }
0x54: {  	v19 =	vshrl.u32 v19, $0x10;
	v20 =	vld.idx.msk [tilespmem:v20+s2+$0x0], $0xffff  }
0x55: {  	v28 =	vand.u32 $0xFFFF, v8;
	v13 =	vld.idx.msk [tilespmem:v13+s2+$0x0], $0xffff  }
0x56: {  	v14 =	vshrl.u32 v14, $0x10;
	v24 =	vld.idx.msk [tilespmem:v24+s2+$0x0], $0xffff  }
0x57: {  	v27 =	vand.u32 $0xFFFF, v15;
	v26 =	vld.idx.msk [tilespmem:v26+s2+$0x0], $0xffff  }
0x58: {  	v3 =	vadd.f32 v17, v3;
	v15 =	vshrl.u32 v15, $0x10;
	v11 =	vld.idx.msk [tilespmem:v11+s2+$0x0], $0xffff  }
0x59: {  	v10 =	vadd.f32 v18, v10;
	v19 =	vld.idx.msk [tilespmem:v19+s2+$0x0], $0xffff;
	v29 =	vand.u32 $0xFFFF, v25  }
0x5a: {  	v8 =	vshrl.u32 v8, $0x10;
	v3 =	vadd.f32 v12, v3;
	v12 =	vld.idx.msk [tilespmem:v28+s2+$0x0], $0xffff  }
0x5b: {  	v9 =	vadd.f32 v16, v9;
	v2 =	vadd.f32 v2, v10;
	v18 =	vshrl.u32 v25, $0x10;
	v10 =	vld.idx.msk [tilespmem:v14+s2+$0x0], $0xffff  }
0x5c: {  	v7 =	vadd.f32 v22, v7;
	v17 =	vld.idx.msk [tilespmem:v27+s2+$0x0], $0xffff  }
0x5d: {  	v6 =	vadd.f32 v6, v9;
	v1 =	vadd.f32 v20, v1;
	v15 =	vld.idx.msk [tilespmem:v15+s2+$0x0], $0xffff  }
0x5e: {  	v0 =	vadd.f32 v23, v0;
	v7 =	vadd.f32 v13, v7;
	v9 =	vld.idx.msk [tilespmem:v29+s2+$0x0], $0xffff  }
0x5f: {  	v8 =	vld.idx.msk [tilespmem:v8+s2+$0x0], $0xffff;
	v1 =	vadd.f32 v21, v1;
	v5 =	vadd.f32 v26, v5  }
0x60: {  	v4 =	vadd.f32 v11, v4;
	v11 =	vld.idx.msk [tilespmem:v18+s2+$0x0], $0xffff;
	[tilespmem:$0x18000] =	vst v7;
	v0 =	vadd.f32 v10, v0  }
0x61: {  	[tilespmem:$0x18050] =	vst v1;
	v5 =	vadd.f32 v19, v5;
	v3 =	vadd.f32 v17, v3  }
0x62: {  	v2 =	vadd.f32 v12, v2;
	v4 =	vadd.f32 v24, v4;
	[tilespmem:$0x18070] =	vst v0  }
0x63: {  	[tilespmem:$0x18010] =	vst v5;
	v5 =	vadd.f32 v9, v6;
	v3 =	vadd.f32 v15, v3  }
0x64: {  	v2 =	vadd.f32 v8, v2;
	[tilespmem:$0x18030] =	vst v4  }
0x65: {  	[tilespmem:$0x18020] =	vst v3;
	v3 =	vadd.f32 v11, v5  }
0x66: {  	[tilespmem:$0x18040] =	vst v2  }
0x67: {  	[tilespmem:$0x18060] =	vst v3  }
0x68: {  	[tilespmem:s12], [sflag:$0x1] =	stream.strided.gather [hbm4b:s6+s10], $0x4000, s11, s10, $0x38;
	[tilespmem:$0x18200] =	vst v63  }
0x69: {  	_ =	swait.ge [sflag:s16], $0x4000  }
0x6a: {  	[sflag:s16] =	ssyncset.done $0x0  }
0x6b: {  	s20 =	simm.s32 $0x0;
	[sflag:s16] =	ssyncadd.s32 $0xFFFFC000  }
0x6c: {  	v0 =	vld [tilespmem:s20+$0x14000]  }
0x6d: {  	v1 =	vld [tilespmem:s20+$0x14050]  }
0x6e: {  	v2 =	vld [tilespmem:s20+$0x14070]  }
0x6f: {  	v3 =	vld [tilespmem:s20+$0x14030]  }
0x70: {  	v4 =	vld [tilespmem:s20+$0x14010]  }
0x71: {  	v7 =	vld [tilespmem:s20+$0x14040]  }
0x72: {  	v8 =	vld [tilespmem:s20+$0x14020]  }
0x73: {  	s19 =	simm.s32 $0x80;
	v12 =	vld [tilespmem:s20+$0x14060];
	v5 =	vand.u32 $0xFFFF, v0  }
0x74: {  	v13 =	vld [tilespmem:s19+$0x14000];
	v6 =	vshrl.u32 v1, $0x10  }
0x75: {  	v20 =	vld [tilespmem:s19+$0x14050];
	v9 =	vand.u32 $0xFFFF, v2  }
0x76: {  	v14 =	vld [tilespmem:s19+$0x14070];
	v10 =	vshrl.u32 v3, $0x10  }
0x77: {  	v2 =	vshrl.u32 v2, $0x10;
	v19 =	vshrl.u32 v8, $0x10;
	v21 =	vand.u32 $0xFFFF, v8;
	v8 =	vld [tilespmem:s19+$0x14040]  }
0x78: {  	v11 =	vand.u32 $0xFFFF, v4;
	v15 =	vld.idx.msk [tilespmem:v5+s2+$0x0], $0xffff  }
0x79: {  	v1 =	vand.u32 $0xFFFF, v1;
	v5 =	vld.idx.msk [tilespmem:v6+s2+$0x0], $0xffff  }
0x7a: {  	v3 =	vand.u32 $0xFFFF, v3;
	v9 =	vld.idx.msk [tilespmem:v9+s2+$0x0], $0xffff  }
0x7b: {  	v4 =	vshrl.u32 v4, $0x10;
	v10 =	vld.idx.msk [tilespmem:v10+s2+$0x0], $0xffff  }
0x7c: {  	v16 =	vld.idx.msk [tilespmem:v2+s2+$0x0], $0xffff  }
0x7d: {  	v0 =	vshrl.u32 v0, $0x10;
	v17 =	vld.idx.msk [tilespmem:v11+s2+$0x0], $0xffff  }
0x7e: {  	v2 =	vshrl.u32 v7, $0x10;
	v1 =	vld.idx.msk [tilespmem:v1+s2+$0x0], $0xffff  }
0x7f: {  	v18 =	vld.idx.msk [tilespmem:v3+s2+$0x0], $0xffff;
	v6 =	vshrl.u32 v12, $0x10  }
0x80: {  	v4 =	vld.idx.msk [tilespmem:v4+s2+$0x0], $0xffff  }
0x81: {  	v11 =	vld [tilespmem:s19+$0x14030]  }
0x82: {  	v23 =	vld.idx.msk [tilespmem:v0+s2+$0x0], $0xffff  }
0x83: {  	v3 =	vimm.f32 $0.0e+00;
	v7 =	vand.u32 $0xFFFF, v7;
	v2 =	vld.idx.msk [tilespmem:v2+s2+$0x0], $0xffff  }
0x84: {  	v6 =	vld.idx.msk [tilespmem:v6+s2+$0x0], $0xffff;
	v0 =	vadd.f32 v9, v3  }
0x85: {  	v1 =	vadd.f32 v1, v3;
	v9 =	vand.u32 $0xFFFF, v12;
	v12 =	vld.idx.msk [tilespmem:v19+s2+$0x0], $0xffff;
	v18 =	vadd.f32 v18, v3  }
0x86: {  	v19 =	vld [tilespmem:s19+$0x14010];
	v0 =	vadd.f32 v16, v0;
	v16 =	vadd.f32 v17, v3  }
0x87: {  	v22 =	vand.u32 $0xFFFF, v13;
	v15 =	vadd.f32 v15, v3;
	v1 =	vadd.f32 v5, v1;
	v17 =	vld.idx.msk [tilespmem:v21+s2+$0x0], $0xffff  }
0x88: {  	v13 =	vshrl.u32 v13, $0x10;
	v5 =	vadd.f32 v4, v16;
	v4 =	vadd.f32 v10, v18;
	v18 =	vld.idx.msk [tilespmem:v7+s2+$0x0], $0xffff  }
0x89: {  	v21 =	vshrl.u32 v20, $0x10;
	v20 =	vand.u32 $0xFFFF, v20;
	v7 =	vadd.f32 v23, v15;
	v15 =	vld [tilespmem:s19+$0x14020]  }
0x8a: {  	s20 =	simm.s32 $0x400;
	v23 =	vand.u32 $0xFFFF, v14;
	v10 =	vimm.f32 $0.0e+00;
	v16 =	vld.idx.msk [tilespmem:v9+s2+$0x0], $0xffff;
	v9 =	vimm.f32 $0.0e+00  }
.LBB2_4:
0x8b: {  	p0 =	sne.s32 s20, $0xFE00;
	v24 =	vshrl.u32 v11, $0x10;
	v25 =	vld [tilespmem:s19+$0x14060];
	s19 =	sshra.s32 s20, $0x2;
	s20 =	sadd.s32 $0x200, s20;
	v14 =	vshrl.u32 v14, $0x10  }
0x8c: {  	v27 =	vand.u32 $0xFFFF, v19;
	v26 =	vld [tilespmem:s19+$0x14000]  }
0x8d: {  	v28 =	vshrl.u32 v8, $0x10;
	v3 =	vadd.f32 v17, v3;
	v22 =	vld.idx.msk [tilespmem:v22+s2+$0x0], $0xffff  }
0x8e: {  	v11 =	vand.u32 $0xFFFF, v11;
	v17 =	vshrl.u32 v19, $0x10;
	v10 =	vadd.f32 v18, v10;
	v19 =	vld.idx.msk [tilespmem:v21+s2+$0x0], $0xffff  }
0x8f: {  	v3 =	vadd.f32 v12, v3;
	v9 =	vadd.f32 v16, v9;
	v18 =	vld.idx.msk [tilespmem:v23+s2+$0x0], $0xffff  }
0x90: {  	v16 =	vand.u32 $0xFFFF, v15;
	v10 =	vadd.f32 v2, v10;
	v12 =	vld.idx.msk [tilespmem:v24+s2+$0x0], $0xffff  }
0x91: {  	v9 =	vadd.f32 v6, v9;
	v14 =	vld.idx.msk [tilespmem:v14+s2+$0x0], $0xffff  }
0x92: {  	v6 =	vld.idx.msk [tilespmem:v27+s2+$0x0], $0xffff  }
0x93: {  	v20 =	vld.idx.msk [tilespmem:v20+s2+$0x0], $0xffff  }
0x94: {  	v23 =	vshrl.u32 v25, $0x10;
	v21 =	vld.idx.msk [tilespmem:v11+s2+$0x0], $0xffff  }
0x95: {  	v27 =	vand.u32 $0xFFFF, v8;
	v0 =	vadd.f32 v18, v0;
	v24 =	vld [tilespmem:s19+$0x14050]  }
0x96: {  	v17 =	vld.idx.msk [tilespmem:v17+s2+$0x0], $0xffff  }
0x97: {  	v0 =	vadd.f32 v14, v0;
	v2 =	vld.idx.msk [tilespmem:v28+s2+$0x0], $0xffff  }
0x98: {  	v15 =	vshrl.u32 v15, $0x10;
	v11 =	vld [tilespmem:s19+$0x14030]  }
0x99: {  	v1 =	vadd.f32 v20, v1;
	v13 =	vld.idx.msk [tilespmem:v13+s2+$0x0], $0xffff  }
0x9a: {  	v5 =	vadd.f32 v6, v5;
	v4 =	vadd.f32 v21, v4;
	v6 =	vld.idx.msk [tilespmem:v23+s2+$0x0], $0xffff  }
0x9b: {  	v20 =	vand.u32 $0xFFFF, v25;
	v1 =	vadd.f32 v19, v1;
	v8 =	vld [tilespmem:s19+$0x14040]  }
0x9c: {  	v5 =	vadd.f32 v17, v5;
	v4 =	vadd.f32 v12, v4;
	v14 =	vld [tilespmem:s19+$0x14070]  }
0x9d: {  	v7 =	vadd.f32 v22, v7;
	v12 =	vld.idx.msk [tilespmem:v15+s2+$0x0], $0xffff  }
.Ltmp1:
0x9e: {  	v19 =	vld [tilespmem:s19+$0x14010];
	(pc) =	sbr.rel @p0 .LBB2_4-.Ltmp1, $4  }
0x9f: {  	v22 =	vand.u32 $0xFFFF, v26;
	v17 =	vld.idx.msk [tilespmem:v16+s2+$0x0], $0xffff  }
0xa0: {  	v21 =	vshrl.u32 v24, $0x10;
	v7 =	vadd.f32 v13, v7;
	v18 =	vld.idx.msk [tilespmem:v27+s2+$0x0], $0xffff  }
0xa1: {  	v13 =	vshrl.u32 v26, $0x10;
	v16 =	vld.idx.msk [tilespmem:v20+s2+$0x0], $0xffff  }
0xa2: {  	v20 =	vand.u32 $0xFFFF, v24;
	v23 =	vand.u32 $0xFFFF, v14;
	v15 =	vld [tilespmem:s19+$0x14020]  }
0xa3: {  	_ =	sdelay $0x2  }
0xa4: {  	v25 =	vld [tilespmem:s19+$0x14060]  }
0xa5: {  	v24 =	vshrl.u32 v11, $0x10;
	v22 =	vld.idx.msk [tilespmem:v22+s2+$0x0], $0xffff  }
0xa6: {  	v26 =	vand.u32 $0xFFFF, v19;
	v21 =	vld.idx.msk [tilespmem:v21+s2+$0x0], $0xffff  }
0xa7: {  	v11 =	vand.u32 $0xFFFF, v11;
	v23 =	vld.idx.msk [tilespmem:v23+s2+$0x0], $0xffff  }
0xa8: {  	v19 =	vshrl.u32 v19, $0x10;
	v20 =	vld.idx.msk [tilespmem:v20+s2+$0x0], $0xffff  }
0xa9: {  	v28 =	vand.u32 $0xFFFF, v8;
	v13 =	vld.idx.msk [tilespmem:v13+s2+$0x0], $0xffff  }
0xaa: {  	v14 =	vshrl.u32 v14, $0x10;
	v24 =	vld.idx.msk [tilespmem:v24+s2+$0x0], $0xffff  }
0xab: {  	v27 =	vand.u32 $0xFFFF, v15;
	v26 =	vld.idx.msk [tilespmem:v26+s2+$0x0], $0xffff  }
0xac: {  	v3 =	vadd.f32 v17, v3;
	v15 =	vshrl.u32 v15, $0x10;
	v11 =	vld.idx.msk [tilespmem:v11+s2+$0x0], $0xffff  }
0xad: {  	v10 =	vadd.f32 v18, v10;
	v19 =	vld.idx.msk [tilespmem:v19+s2+$0x0], $0xffff;
	v29 =	vand.u32 $0xFFFF, v25  }
0xae: {  	v8 =	vshrl.u32 v8, $0x10;
	v3 =	vadd.f32 v12, v3;
	v12 =	vld.idx.msk [tilespmem:v28+s2+$0x0], $0xffff  }
0xaf: {  	v9 =	vadd.f32 v16, v9;
	v2 =	vadd.f32 v2, v10;
	v18 =	vshrl.u32 v25, $0x10;
	v10 =	vld.idx.msk [tilespmem:v14+s2+$0x0], $0xffff  }
0xb0: {  	v7 =	vadd.f32 v22, v7;
	v17 =	vld.idx.msk [tilespmem:v27+s2+$0x0], $0xffff  }
0xb1: {  	v6 =	vadd.f32 v6, v9;
	v1 =	vadd.f32 v20, v1;
	v15 =	vld.idx.msk [tilespmem:v15+s2+$0x0], $0xffff  }
0xb2: {  	v0 =	vadd.f32 v23, v0;
	v7 =	vadd.f32 v13, v7;
	v9 =	vld.idx.msk [tilespmem:v29+s2+$0x0], $0xffff  }
0xb3: {  	v8 =	vld.idx.msk [tilespmem:v8+s2+$0x0], $0xffff;
	v1 =	vadd.f32 v21, v1;
	v5 =	vadd.f32 v26, v5  }
0xb4: {  	v4 =	vadd.f32 v11, v4;
	v11 =	vld.idx.msk [tilespmem:v18+s2+$0x0], $0xffff;
	[tilespmem:$0x18080] =	vst v7;
	v0 =	vadd.f32 v10, v0  }
0xb5: {  	[tilespmem:$0x180D0] =	vst v1;
	v5 =	vadd.f32 v19, v5;
	v3 =	vadd.f32 v17, v3  }
0xb6: {  	v2 =	vadd.f32 v12, v2;
	v4 =	vadd.f32 v24, v4;
	[tilespmem:$0x180F0] =	vst v0  }
0xb7: {  	[tilespmem:$0x18090] =	vst v5;
	v5 =	vadd.f32 v9, v6;
	v3 =	vadd.f32 v15, v3  }
0xb8: {  	v2 =	vadd.f32 v8, v2;
	[tilespmem:$0x180B0] =	vst v4  }
0xb9: {  	[tilespmem:$0x180A0] =	vst v3;
	v3 =	vadd.f32 v11, v5  }
0xba: {  	[tilespmem:$0x180C0] =	vst v2  }
0xbb: {  	[tilespmem:$0x180E0] =	vst v3  }
0xbc: {  	[tilespmem:s13], [sflag:$0x2] =	stream.strided.gather [hbm4b:s7+s10], $0x4000, s11, s10, $0x38;
	[tilespmem:$0x18200] =	vst v63  }
0xbd: {  	_ =	swait.ge [sflag:s15], $0x4000  }
0xbe: {  	[sflag:s15] =	ssyncset.done $0x0  }
0xbf: {  	s20 =	simm.s32 $0x0;
	[sflag:s15] =	ssyncadd.s32 $0xFFFFC000  }
0xc0: {  	v0 =	vld [tilespmem:s20+$0x10000]  }
0xc1: {  	v1 =	vld [tilespmem:s20+$0x10050]  }
0xc2: {  	v2 =	vld [tilespmem:s20+$0x10070]  }
0xc3: {  	v3 =	vld [tilespmem:s20+$0x10030]  }
0xc4: {  	v4 =	vld [tilespmem:s20+$0x10010]  }
0xc5: {  	v7 =	vld [tilespmem:s20+$0x10040]  }
0xc6: {  	v8 =	vld [tilespmem:s20+$0x10020]  }
0xc7: {  	s19 =	simm.s32 $0x80;
	v12 =	vld [tilespmem:s20+$0x10060];
	v5 =	vand.u32 $0xFFFF, v0  }
0xc8: {  	v13 =	vld [tilespmem:s19+$0x10000];
	v6 =	vshrl.u32 v1, $0x10  }
0xc9: {  	v20 =	vld [tilespmem:s19+$0x10050];
	v9 =	vand.u32 $0xFFFF, v2  }
0xca: {  	v14 =	vld [tilespmem:s19+$0x10070];
	v10 =	vshrl.u32 v3, $0x10  }
0xcb: {  	v2 =	vshrl.u32 v2, $0x10;
	v19 =	vshrl.u32 v8, $0x10;
	v21 =	vand.u32 $0xFFFF, v8;
	v8 =	vld [tilespmem:s19+$0x10040]  }
0xcc: {  	v11 =	vand.u32 $0xFFFF, v4;
	v15 =	vld.idx.msk [tilespmem:v5+s2+$0x0], $0xffff  }
0xcd: {  	v1 =	vand.u32 $0xFFFF, v1;
	v5 =	vld.idx.msk [tilespmem:v6+s2+$0x0], $0xffff  }
0xce: {  	v3 =	vand.u32 $0xFFFF, v3;
	v9 =	vld.idx.msk [tilespmem:v9+s2+$0x0], $0xffff  }
0xcf: {  	v4 =	vshrl.u32 v4, $0x10;
	v10 =	vld.idx.msk [tilespmem:v10+s2+$0x0], $0xffff  }
0xd0: {  	v16 =	vld.idx.msk [tilespmem:v2+s2+$0x0], $0xffff  }
0xd1: {  	v0 =	vshrl.u32 v0, $0x10;
	v17 =	vld.idx.msk [tilespmem:v11+s2+$0x0], $0xffff  }
0xd2: {  	v2 =	vshrl.u32 v7, $0x10;
	v1 =	vld.idx.msk [tilespmem:v1+s2+$0x0], $0xffff  }
0xd3: {  	v18 =	vld.idx.msk [tilespmem:v3+s2+$0x0], $0xffff;
	v6 =	vshrl.u32 v12, $0x10  }
0xd4: {  	v4 =	vld.idx.msk [tilespmem:v4+s2+$0x0], $0xffff  }
0xd5: {  	v11 =	vld [tilespmem:s19+$0x10030]  }
0xd6: {  	v23 =	vld.idx.msk [tilespmem:v0+s2+$0x0], $0xffff  }
0xd7: {  	v3 =	vimm.f32 $0.0e+00;
	v7 =	vand.u32 $0xFFFF, v7;
	v2 =	vld.idx.msk [tilespmem:v2+s2+$0x0], $0xffff  }
0xd8: {  	v6 =	vld.idx.msk [tilespmem:v6+s2+$0x0], $0xffff;
	v0 =	vadd.f32 v9, v3  }
0xd9: {  	v1 =	vadd.f32 v1, v3;
	v9 =	vand.u32 $0xFFFF, v12;
	v12 =	vld.idx.msk [tilespmem:v19+s2+$0x0], $0xffff;
	v18 =	vadd.f32 v18, v3  }
0xda: {  	v19 =	vld [tilespmem:s19+$0x10010];
	v0 =	vadd.f32 v16, v0;
	v16 =	vadd.f32 v17, v3  }
0xdb: {  	v22 =	vand.u32 $0xFFFF, v13;
	v15 =	vadd.f32 v15, v3;
	v1 =	vadd.f32 v5, v1;
	v17 =	vld.idx.msk [tilespmem:v21+s2+$0x0], $0xffff  }
0xdc: {  	v13 =	vshrl.u32 v13, $0x10;
	v5 =	vadd.f32 v4, v16;
	v4 =	vadd.f32 v10, v18;
	v18 =	vld.idx.msk [tilespmem:v7+s2+$0x0], $0xffff  }
0xdd: {  	v21 =	vshrl.u32 v20, $0x10;
	v20 =	vand.u32 $0xFFFF, v20;
	v7 =	vadd.f32 v23, v15;
	v15 =	vld [tilespmem:s19+$0x10020]  }
0xde: {  	s20 =	simm.s32 $0x400;
	v23 =	vand.u32 $0xFFFF, v14;
	v10 =	vimm.f32 $0.0e+00;
	v16 =	vld.idx.msk [tilespmem:v9+s2+$0x0], $0xffff;
	v9 =	vimm.f32 $0.0e+00  }
.LBB2_6:
0xdf: {  	p0 =	sne.s32 s20, $0xFE00;
	v24 =	vshrl.u32 v11, $0x10;
	v25 =	vld [tilespmem:s19+$0x10060];
	s19 =	sshra.s32 s20, $0x2;
	s20 =	sadd.s32 $0x200, s20;
	v14 =	vshrl.u32 v14, $0x10  }
0xe0: {  	v27 =	vand.u32 $0xFFFF, v19;
	v26 =	vld [tilespmem:s19+$0x10000]  }
0xe1: {  	v28 =	vshrl.u32 v8, $0x10;
	v3 =	vadd.f32 v17, v3;
	v22 =	vld.idx.msk [tilespmem:v22+s2+$0x0], $0xffff  }
0xe2: {  	v11 =	vand.u32 $0xFFFF, v11;
	v17 =	vshrl.u32 v19, $0x10;
	v10 =	vadd.f32 v18, v10;
	v19 =	vld.idx.msk [tilespmem:v21+s2+$0x0], $0xffff  }
0xe3: {  	v3 =	vadd.f32 v12, v3;
	v9 =	vadd.f32 v16, v9;
	v18 =	vld.idx.msk [tilespmem:v23+s2+$0x0], $0xffff  }
0xe4: {  	v16 =	vand.u32 $0xFFFF, v15;
	v10 =	vadd.f32 v2, v10;
	v12 =	vld.idx.msk [tilespmem:v24+s2+$0x0], $0xffff  }
0xe5: {  	v9 =	vadd.f32 v6, v9;
	v14 =	vld.idx.msk [tilespmem:v14+s2+$0x0], $0xffff  }
0xe6: {  	v6 =	vld.idx.msk [tilespmem:v27+s2+$0x0], $0xffff  }
0xe7: {  	v20 =	vld.idx.msk [tilespmem:v20+s2+$0x0], $0xffff  }
0xe8: {  	v23 =	vshrl.u32 v25, $0x10;
	v21 =	vld.idx.msk [tilespmem:v11+s2+$0x0], $0xffff  }
0xe9: {  	v27 =	vand.u32 $0xFFFF, v8;
	v0 =	vadd.f32 v18, v0;
	v24 =	vld [tilespmem:s19+$0x10050]  }
0xea: {  	v17 =	vld.idx.msk [tilespmem:v17+s2+$0x0], $0xffff  }
0xeb: {  	v0 =	vadd.f32 v14, v0;
	v2 =	vld.idx.msk [tilespmem:v28+s2+$0x0], $0xffff  }
0xec: {  	v15 =	vshrl.u32 v15, $0x10;
	v11 =	vld [tilespmem:s19+$0x10030]  }
0xed: {  	v1 =	vadd.f32 v20, v1;
	v13 =	vld.idx.msk [tilespmem:v13+s2+$0x0], $0xffff  }
0xee: {  	v5 =	vadd.f32 v6, v5;
	v4 =	vadd.f32 v21, v4;
	v6 =	vld.idx.msk [tilespmem:v23+s2+$0x0], $0xffff  }
0xef: {  	v20 =	vand.u32 $0xFFFF, v25;
	v1 =	vadd.f32 v19, v1;
	v8 =	vld [tilespmem:s19+$0x10040]  }
0xf0: {  	v5 =	vadd.f32 v17, v5;
	v4 =	vadd.f32 v12, v4;
	v14 =	vld [tilespmem:s19+$0x10070]  }
0xf1: {  	v7 =	vadd.f32 v22, v7;
	v12 =	vld.idx.msk [tilespmem:v15+s2+$0x0], $0xffff  }
.Ltmp2:
0xf2: {  	v19 =	vld [tilespmem:s19+$0x10010];
	(pc) =	sbr.rel @p0 .LBB2_6-.Ltmp2, $4  }
0xf3: {  	v22 =	vand.u32 $0xFFFF, v26;
	v17 =	vld.idx.msk [tilespmem:v16+s2+$0x0], $0xffff  }
0xf4: {  	v21 =	vshrl.u32 v24, $0x10;
	v7 =	vadd.f32 v13, v7;
	v18 =	vld.idx.msk [tilespmem:v27+s2+$0x0], $0xffff  }
0xf5: {  	v13 =	vshrl.u32 v26, $0x10;
	v16 =	vld.idx.msk [tilespmem:v20+s2+$0x0], $0xffff  }
0xf6: {  	v20 =	vand.u32 $0xFFFF, v24;
	v23 =	vand.u32 $0xFFFF, v14;
	v15 =	vld [tilespmem:s19+$0x10020]  }
0xf7: {  	_ =	sdelay $0x2  }
0xf8: {  	v25 =	vld [tilespmem:s19+$0x10060]  }
0xf9: {  	v24 =	vshrl.u32 v11, $0x10;
	v22 =	vld.idx.msk [tilespmem:v22+s2+$0x0], $0xffff  }
0xfa: {  	v26 =	vand.u32 $0xFFFF, v19;
	v21 =	vld.idx.msk [tilespmem:v21+s2+$0x0], $0xffff  }
0xfb: {  	v11 =	vand.u32 $0xFFFF, v11;
	v23 =	vld.idx.msk [tilespmem:v23+s2+$0x0], $0xffff  }
0xfc: {  	v19 =	vshrl.u32 v19, $0x10;
	v20 =	vld.idx.msk [tilespmem:v20+s2+$0x0], $0xffff  }
0xfd: {  	v28 =	vand.u32 $0xFFFF, v8;
	v13 =	vld.idx.msk [tilespmem:v13+s2+$0x0], $0xffff  }
0xfe: {  	v14 =	vshrl.u32 v14, $0x10;
	v24 =	vld.idx.msk [tilespmem:v24+s2+$0x0], $0xffff  }
0xff: {  	v27 =	vand.u32 $0xFFFF, v15;
	v26 =	vld.idx.msk [tilespmem:v26+s2+$0x0], $0xffff  }
0x100: {  	v3 =	vadd.f32 v17, v3;
	v15 =	vshrl.u32 v15, $0x10;
	v11 =	vld.idx.msk [tilespmem:v11+s2+$0x0], $0xffff  }
0x101: {  	v10 =	vadd.f32 v18, v10;
	v19 =	vld.idx.msk [tilespmem:v19+s2+$0x0], $0xffff;
	v29 =	vand.u32 $0xFFFF, v25  }
0x102: {  	v8 =	vshrl.u32 v8, $0x10;
	v3 =	vadd.f32 v12, v3;
	v12 =	vld.idx.msk [tilespmem:v28+s2+$0x0], $0xffff  }
0x103: {  	v9 =	vadd.f32 v16, v9;
	v2 =	vadd.f32 v2, v10;
	v18 =	vshrl.u32 v25, $0x10;
	v10 =	vld.idx.msk [tilespmem:v14+s2+$0x0], $0xffff  }
0x104: {  	v7 =	vadd.f32 v22, v7;
	v17 =	vld.idx.msk [tilespmem:v27+s2+$0x0], $0xffff  }
0x105: {  	v6 =	vadd.f32 v6, v9;
	v1 =	vadd.f32 v20, v1;
	v15 =	vld.idx.msk [tilespmem:v15+s2+$0x0], $0xffff  }
0x106: {  	v0 =	vadd.f32 v23, v0;
	v7 =	vadd.f32 v13, v7;
	v9 =	vld.idx.msk [tilespmem:v29+s2+$0x0], $0xffff  }
0x107: {  	v8 =	vld.idx.msk [tilespmem:v8+s2+$0x0], $0xffff;
	v1 =	vadd.f32 v21, v1;
	v5 =	vadd.f32 v26, v5  }
0x108: {  	v4 =	vadd.f32 v11, v4;
	v11 =	vld.idx.msk [tilespmem:v18+s2+$0x0], $0xffff;
	[tilespmem:$0x18100] =	vst v7;
	v0 =	vadd.f32 v10, v0  }
0x109: {  	[tilespmem:$0x18150] =	vst v1;
	v5 =	vadd.f32 v19, v5;
	v3 =	vadd.f32 v17, v3  }
0x10a: {  	v2 =	vadd.f32 v12, v2;
	v4 =	vadd.f32 v24, v4;
	[tilespmem:$0x18170] =	vst v0  }
0x10b: {  	[tilespmem:$0x18110] =	vst v5;
	v5 =	vadd.f32 v9, v6;
	v3 =	vadd.f32 v15, v3  }
0x10c: {  	v2 =	vadd.f32 v8, v2;
	[tilespmem:$0x18130] =	vst v4  }
0x10d: {  	[tilespmem:$0x18120] =	vst v3;
	v3 =	vadd.f32 v11, v5  }
0x10e: {  	[tilespmem:$0x18140] =	vst v2  }
0x10f: {  	[tilespmem:$0x18160] =	vst v3  }
0x110: {  	_ =	swait.ge [sflag:s16], $0x4000  }
0x111: {  	[sflag:s16] =	ssyncset.done $0x0  }
0x112: {  	s20 =	simm.s32 $0x0;
	[sflag:s16] =	ssyncadd.s32 $0xFFFFC000  }
0x113: {  	v0 =	vld [tilespmem:s20+$0x14000]  }
0x114: {  	v1 =	vld [tilespmem:s20+$0x14050]  }
0x115: {  	v2 =	vld [tilespmem:s20+$0x14070]  }
0x116: {  	v3 =	vld [tilespmem:s20+$0x14030]  }
0x117: {  	v4 =	vld [tilespmem:s20+$0x14010]  }
0x118: {  	v7 =	vld [tilespmem:s20+$0x14040]  }
0x119: {  	v8 =	vld [tilespmem:s20+$0x14020]  }
0x11a: {  	s19 =	simm.s32 $0x80;
	v12 =	vld [tilespmem:s20+$0x14060];
	v5 =	vand.u32 $0xFFFF, v0  }
0x11b: {  	v13 =	vld [tilespmem:s19+$0x14000];
	v6 =	vshrl.u32 v1, $0x10  }
0x11c: {  	v20 =	vld [tilespmem:s19+$0x14050];
	v9 =	vand.u32 $0xFFFF, v2  }
0x11d: {  	v14 =	vld [tilespmem:s19+$0x14070];
	v10 =	vshrl.u32 v3, $0x10  }
0x11e: {  	v2 =	vshrl.u32 v2, $0x10;
	v19 =	vshrl.u32 v8, $0x10;
	v21 =	vand.u32 $0xFFFF, v8;
	v8 =	vld [tilespmem:s19+$0x14040]  }
0x11f: {  	v11 =	vand.u32 $0xFFFF, v4;
	v15 =	vld.idx.msk [tilespmem:v5+s2+$0x0], $0xffff  }
0x120: {  	v1 =	vand.u32 $0xFFFF, v1;
	v5 =	vld.idx.msk [tilespmem:v6+s2+$0x0], $0xffff  }
0x121: {  	v3 =	vand.u32 $0xFFFF, v3;
	v9 =	vld.idx.msk [tilespmem:v9+s2+$0x0], $0xffff  }
0x122: {  	v4 =	vshrl.u32 v4, $0x10;
	v10 =	vld.idx.msk [tilespmem:v10+s2+$0x0], $0xffff  }
0x123: {  	v16 =	vld.idx.msk [tilespmem:v2+s2+$0x0], $0xffff  }
0x124: {  	v0 =	vshrl.u32 v0, $0x10;
	v17 =	vld.idx.msk [tilespmem:v11+s2+$0x0], $0xffff  }
0x125: {  	v2 =	vshrl.u32 v7, $0x10;
	v1 =	vld.idx.msk [tilespmem:v1+s2+$0x0], $0xffff  }
0x126: {  	v18 =	vld.idx.msk [tilespmem:v3+s2+$0x0], $0xffff;
	v6 =	vshrl.u32 v12, $0x10  }
0x127: {  	v4 =	vld.idx.msk [tilespmem:v4+s2+$0x0], $0xffff  }
0x128: {  	v11 =	vld [tilespmem:s19+$0x14030]  }
0x129: {  	v23 =	vld.idx.msk [tilespmem:v0+s2+$0x0], $0xffff  }
0x12a: {  	v3 =	vimm.f32 $0.0e+00;
	v7 =	vand.u32 $0xFFFF, v7;
	v2 =	vld.idx.msk [tilespmem:v2+s2+$0x0], $0xffff  }
0x12b: {  	v6 =	vld.idx.msk [tilespmem:v6+s2+$0x0], $0xffff;
	v0 =	vadd.f32 v9, v3  }
0x12c: {  	v1 =	vadd.f32 v1, v3;
	v9 =	vand.u32 $0xFFFF, v12;
	v12 =	vld.idx.msk [tilespmem:v19+s2+$0x0], $0xffff;
	v18 =	vadd.f32 v18, v3  }
0x12d: {  	v19 =	vld [tilespmem:s19+$0x14010];
	v0 =	vadd.f32 v16, v0;
	v16 =	vadd.f32 v17, v3  }
0x12e: {  	v22 =	vand.u32 $0xFFFF, v13;
	v15 =	vadd.f32 v15, v3;
	v1 =	vadd.f32 v5, v1;
	v17 =	vld.idx.msk [tilespmem:v21+s2+$0x0], $0xffff  }
0x12f: {  	v13 =	vshrl.u32 v13, $0x10;
	v5 =	vadd.f32 v4, v16;
	v4 =	vadd.f32 v10, v18;
	v18 =	vld.idx.msk [tilespmem:v7+s2+$0x0], $0xffff  }
0x130: {  	v21 =	vshrl.u32 v20, $0x10;
	v20 =	vand.u32 $0xFFFF, v20;
	v7 =	vadd.f32 v23, v15;
	v15 =	vld [tilespmem:s19+$0x14020]  }
0x131: {  	s20 =	simm.s32 $0x400;
	v23 =	vand.u32 $0xFFFF, v14;
	v10 =	vimm.f32 $0.0e+00;
	v16 =	vld.idx.msk [tilespmem:v9+s2+$0x0], $0xffff;
	v9 =	vimm.f32 $0.0e+00  }
.LBB2_8:
0x132: {  	p0 =	sne.s32 s20, $0xFE00;
	v24 =	vshrl.u32 v11, $0x10;
	v25 =	vld [tilespmem:s19+$0x14060];
	s19 =	sshra.s32 s20, $0x2;
	s20 =	sadd.s32 $0x200, s20;
	v14 =	vshrl.u32 v14, $0x10  }
0x133: {  	v27 =	vand.u32 $0xFFFF, v19;
	v26 =	vld [tilespmem:s19+$0x14000]  }
0x134: {  	v28 =	vshrl.u32 v8, $0x10;
	v3 =	vadd.f32 v17, v3;
	v22 =	vld.idx.msk [tilespmem:v22+s2+$0x0], $0xffff  }
0x135: {  	v11 =	vand.u32 $0xFFFF, v11;
	v17 =	vshrl.u32 v19, $0x10;
	v10 =	vadd.f32 v18, v10;
	v19 =	vld.idx.msk [tilespmem:v21+s2+$0x0], $0xffff  }
0x136: {  	v3 =	vadd.f32 v12, v3;
	v9 =	vadd.f32 v16, v9;
	v18 =	vld.idx.msk [tilespmem:v23+s2+$0x0], $0xffff  }
0x137: {  	v16 =	vand.u32 $0xFFFF, v15;
	v10 =	vadd.f32 v2, v10;
	v12 =	vld.idx.msk [tilespmem:v24+s2+$0x0], $0xffff  }
0x138: {  	v9 =	vadd.f32 v6, v9;
	v14 =	vld.idx.msk [tilespmem:v14+s2+$0x0], $0xffff  }
0x139: {  	v6 =	vld.idx.msk [tilespmem:v27+s2+$0x0], $0xffff  }
0x13a: {  	v20 =	vld.idx.msk [tilespmem:v20+s2+$0x0], $0xffff  }
0x13b: {  	v23 =	vshrl.u32 v25, $0x10;
	v21 =	vld.idx.msk [tilespmem:v11+s2+$0x0], $0xffff  }
0x13c: {  	v27 =	vand.u32 $0xFFFF, v8;
	v0 =	vadd.f32 v18, v0;
	v24 =	vld [tilespmem:s19+$0x14050]  }
0x13d: {  	v17 =	vld.idx.msk [tilespmem:v17+s2+$0x0], $0xffff  }
0x13e: {  	v0 =	vadd.f32 v14, v0;
	v2 =	vld.idx.msk [tilespmem:v28+s2+$0x0], $0xffff  }
0x13f: {  	v15 =	vshrl.u32 v15, $0x10;
	v11 =	vld [tilespmem:s19+$0x14030]  }
0x140: {  	v1 =	vadd.f32 v20, v1;
	v13 =	vld.idx.msk [tilespmem:v13+s2+$0x0], $0xffff  }
0x141: {  	v5 =	vadd.f32 v6, v5;
	v4 =	vadd.f32 v21, v4;
	v6 =	vld.idx.msk [tilespmem:v23+s2+$0x0], $0xffff  }
0x142: {  	v20 =	vand.u32 $0xFFFF, v25;
	v1 =	vadd.f32 v19, v1;
	v8 =	vld [tilespmem:s19+$0x14040]  }
0x143: {  	v5 =	vadd.f32 v17, v5;
	v4 =	vadd.f32 v12, v4;
	v14 =	vld [tilespmem:s19+$0x14070]  }
0x144: {  	v7 =	vadd.f32 v22, v7;
	v12 =	vld.idx.msk [tilespmem:v15+s2+$0x0], $0xffff  }
.Ltmp3:
0x145: {  	v19 =	vld [tilespmem:s19+$0x14010];
	(pc) =	sbr.rel @p0 .LBB2_8-.Ltmp3, $4  }
0x146: {  	v22 =	vand.u32 $0xFFFF, v26;
	v17 =	vld.idx.msk [tilespmem:v16+s2+$0x0], $0xffff  }
0x147: {  	v21 =	vshrl.u32 v24, $0x10;
	v7 =	vadd.f32 v13, v7;
	v18 =	vld.idx.msk [tilespmem:v27+s2+$0x0], $0xffff  }
0x148: {  	v13 =	vshrl.u32 v26, $0x10;
	v16 =	vld.idx.msk [tilespmem:v20+s2+$0x0], $0xffff  }
0x149: {  	v20 =	vand.u32 $0xFFFF, v24;
	v23 =	vand.u32 $0xFFFF, v14;
	v15 =	vld [tilespmem:s19+$0x14020]  }
0x14a: {  	_ =	sdelay $0x2  }
0x14b: {  	v25 =	vld [tilespmem:s19+$0x14060]  }
0x14c: {  	v24 =	vshrl.u32 v11, $0x10;
	v22 =	vld.idx.msk [tilespmem:v22+s2+$0x0], $0xffff  }
0x14d: {  	v26 =	vand.u32 $0xFFFF, v19;
	v21 =	vld.idx.msk [tilespmem:v21+s2+$0x0], $0xffff  }
0x14e: {  	v52 =	vand.u32 $0xFFFF, v11;
	v23 =	vld.idx.msk [tilespmem:v23+s2+$0x0], $0xffff  }
0x14f: {  	v53 =	vshrl.u32 v19, $0x10;
	v20 =	vld.idx.msk [tilespmem:v20+s2+$0x0], $0xffff  }
0x150: {  	v28 =	vand.u32 $0xFFFF, v8;
	v13 =	vld.idx.msk [tilespmem:v13+s2+$0x0], $0xffff  }
0x151: {  	v14 =	vshrl.u32 v14, $0x10;
	v24 =	vld.idx.msk [tilespmem:v24+s2+$0x0], $0xffff  }
0x152: {  	v55 =	vshrl.u32 v8, $0x10;
	v26 =	vld.idx.msk [tilespmem:v26+s2+$0x0], $0xffff  }
0x153: {  	v27 =	vand.u32 $0xFFFF, v15;
	v11 =	vld.idx.msk [tilespmem:v52+s2+$0x0], $0xffff  }
0x154: {  	v3 =	vadd.f32 v17, v3;
	v19 =	vld.idx.msk [tilespmem:v53+s2+$0x0], $0xffff;
	v29 =	vand.u32 $0xFFFF, v25  }
0x155: {  	v10 =	vadd.f32 v18, v10;
	v54 =	vshrl.u32 v15, $0x10;
	v58 =	vld.idx.msk [tilespmem:v28+s2+$0x0], $0xffff  }
0x156: {  	v3 =	vadd.f32 v12, v3;
	v9 =	vadd.f32 v16, v9;
	v57 =	vshrl.u32 v25, $0x10;
	v60 =	vld.idx.msk [tilespmem:v14+s2+$0x0], $0xffff  }
0x157: {  	v2 =	vadd.f32 v2, v10;
	v8 =	vld.idx.msk [tilespmem:v55+s2+$0x0], $0xffff;
	v7 =	vadd.f32 v22, v7  }
0x158: {  	v6 =	vadd.f32 v6, v9;
	v1 =	vadd.f32 v20, v1;
	v56 =	vld.idx.msk [tilespmem:v27+s2+$0x0], $0xffff  }
0x159: {  	v0 =	vadd.f32 v23, v0;
	v7 =	vadd.f32 v13, v7;
	v59 =	vld.idx.msk [tilespmem:v29+s2+$0x0], $0xffff  }
0x15a: {  	v1 =	vadd.f32 v21, v1;
	v15 =	vld.idx.msk [tilespmem:v54+s2+$0x0], $0xffff;
	v5 =	vadd.f32 v26, v5  }
0x15b: {  	v4 =	vadd.f32 v11, v4;
	v61 =	vld.idx.msk [tilespmem:v57+s2+$0x0], $0xffff;
	[tilespmem:$0x18180] =	vst v7;
	v0 =	vadd.f32 v60, v0  }
0x15c: {  	v2 =	vadd.f32 v58, v2;
	[tilespmem:$0x181D0] =	vst v1;
	v5 =	vadd.f32 v19, v5  }
0x15d: {  	v4 =	vadd.f32 v24, v4;
	[tilespmem:$0x181F0] =	vst v0;
	v3 =	vadd.f32 v56, v3  }
0x15e: {  	v2 =	vadd.f32 v8, v2;
	[tilespmem:$0x18190] =	vst v5;
	v62 =	vadd.f32 v59, v6  }
0x15f: {  	[tilespmem:$0x181B0] =	vst v4;
	v3 =	vadd.f32 v15, v3  }
0x160: {  	s18 =	sadd.s32 $0x1, s18;
	[tilespmem:$0x181C0] =	vst v2;
	v63 =	vadd.f32 v61, v62  }
0x161: {  	p0 =	sne.s32 s18, s9;
	[tilespmem:$0x181A0] =	vst v3  }
.Ltmp4:
0x162: {  	[tilespmem:$0x181E0] =	vst v63;
	(pc) =	sbr.rel @p0 .LBB2_1-.Ltmp4, $4  }
0x163: {  	[hbm4b:s8+s2] =	stream.linear.scatter [tilespmem:s17], [sflag:$0x3], $0x200, $0x38;
	[tilespmem:$0x18200] =	vst v63  }
0x164: {  	_ =	swait.ge [sflag:s14], $0x200  }
0x165: {  	[sflag:s14] =	ssyncset.done $0x0  }
0x166: {  	[sflag:s14] =	ssyncadd.s32 $0xFFFFFE00  }
0x167: {  	_ =	sfence.sel $0x180000  }
0x168: {  	[bflag:$0x0] =	sbarrier.arrive $0xFFFF  }
0x169: {  	p0 =	sne.s32 s1, $0x0;
	_ =	strace $0x90000047  }
0x16a: {  	s0 =	sadd.s32 @!p0 $0x100000, s0;
	[bflag:$0x2] =	sbarrier.arrive $0xFFFF  }
0x16b: {  	[sflag:s0] =	ssyncadd.tile.s32 @!p0 $0x1;
	_ =	shalt  }
.Lfunc_end2:
_tile_overlayer_lowered:
.L_overlay_start_2:
0x16c: {  	(tag) =	ssettag $0x2  }
0x16d: {  	s0 =	rddreg [dreg:$0x0];
	s2 =	stileid.u32  }
0x16e: {  	s1 =	rddreg [dreg:$0x1];
	p0 =	sne.s32 s2, $0x0  }
0x16f: {  	s3 =	rddreg [dreg:$0x2];
	[bflag:$0x3] =	sbarrier.arrive $0xFFFF;
	s2 =	simm.s32 @!p0 $0x1C03  }
0x170: {  	[timem:s3], [sflag:s2] =	dma.local @!p0 [hbm:s0], s1  }
0x171: {  	s0 =	simm.s32 @!p0 $0x3  }
0x172: {  	_ =	swait.ge @!p0 [sflag:s0], s1  }
0x173: {  	s1 =	ssub.s32 @!p0 $0x0, s1;
	[sflag:s0] =	ssyncset.done @!p0 $0x0  }
0x174: {  	[sflag:s0] =	ssyncadd.s32 @!p0 s1  }
0x175: {  	[bflag:$0x3] =	sbarrier.arrive $0xFFFF  }
0x176: {  	_ =	shalt  }

</sc_bundles>
